<compile_context>
chip_gen: v7x
topology: tpu7x:2x2x1
jax: 0.10.2.dev20260603
libtpu: 0.0.44.dev20260713+nightly
codegen_flags: <defaults>
</compile_context>

<pallas_src>
import functools

import jax
import jax.numpy as jnp
from jax import lax
from jax.experimental import pallas as pl
from jax.experimental.pallas import tpu as pltpu
from jax.experimental.pallas import tpu_sc as plsc

_B, _G, _D = 4096, 200, 64
_ALPHA = 0.1
_NC, _NS = 2, 16
_NW = _NC * _NS
_NIT = _G * 8
_ITW = _NIT // _NW

_mesh = plsc.VectorSubcoreMesh(core_axis_name="c", subcore_axis_name="s")


@functools.partial(
    pl.kernel,
    out_type=jax.ShapeDtypeStruct((_G, _D, _B), jnp.float32),
    mesh=_mesh,
    scratch_types=[
        pltpu.VMEM((_B,), jnp.int32),
        pltpu.VMEM((_B,), jnp.float32),
        pltpu.VMEM((_D * _D,), jnp.float32),
        pltpu.VMEM((80,), jnp.float32),
        pltpu.VMEM((8, _B), jnp.float32),
        pltpu.VMEM((8, _B), jnp.float32),
        pltpu.SemaphoreType.DMA,
        pltpu.SemaphoreType.DMA,
    ],
    compiler_params=pltpu.CompilerParams(needs_layout_passes=False),
)
def _sc_embed(idx_hbm, norm_hbm, table_hbm, proj_hbm, out_hbm,
              idx_v, norm_v, table_v, proj_v, out_v0, out_v1, sem0, sem1):
    wid = lax.axis_index("s") * _NC + lax.axis_index("c")
    item0 = wid * _ITW
    pltpu.sync_copy(table_hbm, table_v)
    pltpu.sync_copy(proj_hbm, proj_v)
    out_bufs = (out_v0, out_v1)
    sems = (sem0, sem1)

    @pl.loop(0, _ITW, step=2)
    def _items(k2):
        for u in range(2):
            k = k2 + u
            item = item0 + k
            g = lax.shift_right_logical(item, 3)
            dt = lax.bitwise_and(item, 7)
            buf = out_bufs[u]

            @pl.when((dt == 0) | (k == 0))
            def _():
                pltpu.sync_copy(idx_hbm.at[g], idx_v)
                pltpu.sync_copy(norm_hbm.at[g], norm_v)

            @pl.when(k2 >= 2)
            def _():
                pltpu.make_async_copy(
                    buf, out_hbm.at[g, pl.ds(dt * 8, 8), :], sems[u]
                ).wait()

            pvec = proj_v[pl.ds(dt * 8, 16)]
            pb = tuple(
                jnp.take_along_axis(pvec, jnp.full((16,), j, jnp.int32), axis=0)
                for j in range(8)
            )
            tb = dt * 512

            tvj = tuple(
                table_v.at[pl.ds(j * _D, _D * _D - j * _D)] for j in range(8)
            )

            @plsc.parallel_loop(0, _B, step=16, unroll=8)
            def _bt(off):
                av = idx_v[pl.ds(off, 16)] + tb
                nvec = norm_v[pl.ds(off, 16)]
                for j in range(8):
                    gv = plsc.load_gather(tvj[j], [av])
                    buf[j, pl.ds(off, 16)] = gv + nvec * pb[j]

            pltpu.async_copy(buf, out_hbm.at[g, pl.ds(dt * 8, 8), :], sems[u])

    for u in range(2):
        pltpu.make_async_copy(
            out_bufs[u], out_hbm.at[0, pl.ds(0, 8), :], sems[u]
        ).wait()


def kernel(discrete_expression, normalized_expr, bin_embedding, continuous_projection):
    idx_t = discrete_expression.T.astype(jnp.int32)
    norm_t = normalized_expr.T.astype(jnp.float32)
    table_t = jnp.pad(bin_embedding, ((0, _D - bin_embedding.shape[0]), (0, 0)))
    table_t = table_t.T.reshape(_D * _D).astype(jnp.float32)
    proj = jnp.pad(continuous_projection.astype(jnp.float32) * _ALPHA, (0, 16))
    out = _sc_embed(idx_t, norm_t, table_t, proj)
    return jnp.transpose(out, (2, 0, 1))

# --- scband reference (transcript-rebuilt; emitter-appended) ---
"""Pipeline reference for scband-expression-embedding-15908558864385 (READ-ONLY COPY).

The authoritative reference and input builder live on the scoring server;
editing this copy changes nothing except your own understanding.
"""

import jax, jax.numpy as jnp
import numpy as np

B, G, D = 4096, 200, 64
NUM_BINS = 50
ALPHA = 0.1

def setup_inputs(seed: int = 0) -> dict:
    key = jax.random.key(seed)
    k1, k2, k3, k4 = jax.random.split(key, 4)
    discrete_expression = jax.random.randint(k1, (B, G), 0, NUM_BINS + 3, dtype=jnp.int64 if jax.config.jax_enable_x64 else jnp.int32)
    normalized_expr = jax.random.uniform(k2, (B, G), dtype=jnp.float32)
    # learned params: embedding table (xavier-ish) and continuous projection vector
    fan = NUM_BINS + 3 + D
    limit = np.sqrt(6.0 / fan)
    bin_embedding = jax.random.uniform(k3, (NUM_BINS + 3, D), minval=-limit, maxval=limit, dtype=jnp.float32)
    continuous_projection = jax.random.uniform(k4, (D,), minval=-np.sqrt(6.0 / (1 + D)), maxval=np.sqrt(6.0 / (1 + D)), dtype=jnp.float32)
    return {"discrete_expression": discrete_expression, "normalized_expr": normalized_expr, "bin_embedding": bin_embedding, "continuous_projection": continuous_projection}

def reference(discrete_expression, normalized_expr, bin_embedding, continuous_projection):
    # gather: embedding lookup
    discrete_embeddings = jnp.take(bin_embedding, discrete_expression, axis=0)  # (B, G, D)
    continuous_component = ALPHA * normalized_expr[..., None] * continuous_projection[None, None, :]
    expr_embeddings = discrete_embeddings + continuous_component
    return expr_embeddings

if __name__ == "__main__":
    import jax
    _d = setup_inputs()
    print(jax.jit(kernel)(*tuple(_d.values())))

</pallas_src>

<mosaic_0001>
#map = affine_map<(d0, d1) -> (0, 0)>
#map1 = affine_map<(d0, d1) -> (0)>
#map2 = affine_map<(d0, d1) -> (0, 0, 0)>
module attributes {stable_mosaic.version = 14 : i64} {
  func.func @_sc_embed(%arg0: i32, %arg1: i32, %arg2: memref<200x4096xi32, #tpu.memory_space<hbm>>, %arg3: memref<200x4096xf32, #tpu.memory_space<hbm>>, %arg4: memref<4096xf32, #tpu.memory_space<hbm>>, %arg5: memref<80xf32, #tpu.memory_space<hbm>>, %arg6: memref<200x64x4096xf32, #tpu.memory_space<hbm>>, %arg7: memref<4096xi32, #tpu.memory_space<vmem>>, %arg8: memref<4096xf32, #tpu.memory_space<vmem>>, %arg9: memref<4096xf32, #tpu.memory_space<vmem>>, %arg10: memref<80xf32, #tpu.memory_space<vmem>>, %arg11: memref<8x4096xf32, #tpu.memory_space<vmem>>, %arg12: memref<8x4096xf32, #tpu.memory_space<vmem>>, %arg13: memref<!tpu.dma_semaphore, #tpu.memory_space<semaphore_mem>>, %arg14: memref<!tpu.dma_semaphore, #tpu.memory_space<semaphore_mem>>) attributes {dimension_semantics = [#tpu.dimension_semantics<core_parallel>, #tpu.dimension_semantics<subcore_parallel>], iteration_bounds = array<i64: 2, 16>, scalar_prefetch = 0 : i64, scratch_operands = 8 : i64, tpu.core_type = #tpu.core_type<sc_vector_subcore>, window_params = [{transform_indices = #map}, {transform_indices = #map}, {transform_indices = #map1}, {transform_indices = #map1}, {transform_indices = #map2}]} {
    %mul3A = arith.constant 2 : i32
    %mul3A_0 = arith.muli %arg1, %mul3A : i32
    %add3A = arith.addi %mul3A_0, %arg0 : i32
    %mul3A_1 = arith.constant 50 : i32
    %mul3A_2 = arith.muli %add3A, %mul3A_1 : i32
    "tpu.region"() ({
      %run_scoped3A = tpu.sem_alloc : memref<!tpu.dma_semaphore, #tpu.memory_space<semaphore_mem>>
      tpu.enqueue_dma source(%arg4 : memref<4096xf32, #tpu.memory_space<hbm>>) target(%arg9 : memref<4096xf32, #tpu.memory_space<vmem>>) target_semaphore(%run_scoped3A : memref<!tpu.dma_semaphore, #tpu.memory_space<semaphore_mem>>)
      tpu.wait_dma2 semaphore(%run_scoped3A : memref<!tpu.dma_semaphore, #tpu.memory_space<semaphore_mem>>) src(%arg4 : memref<4096xf32, #tpu.memory_space<hbm>>) dst(%arg9 : memref<4096xf32, #tpu.memory_space<vmem>>)
      tpu.yield
    }) : () -> ()
    "tpu.region"() ({
      %run_scoped3A = tpu.sem_alloc : memref<!tpu.dma_semaphore, #tpu.memory_space<semaphore_mem>>
      tpu.enqueue_dma source(%arg5 : memref<80xf32, #tpu.memory_space<hbm>>) target(%arg10 : memref<80xf32, #tpu.memory_space<vmem>>) target_semaphore(%run_scoped3A : memref<!tpu.dma_semaphore, #tpu.memory_space<semaphore_mem>>)
      tpu.wait_dma2 semaphore(%run_scoped3A : memref<!tpu.dma_semaphore, #tpu.memory_space<semaphore_mem>>) src(%arg5 : memref<80xf32, #tpu.memory_space<hbm>>) dst(%arg10 : memref<80xf32, #tpu.memory_space<vmem>>)
      tpu.yield
    }) : () -> ()
    %scan3A = arith.constant 0 : i32
    %scan3A_3 = arith.constant 25 : i32
    %scan3A_4 = arith.addi %scan3A, %scan3A_3 : i32
    %scan3A_5 = arith.constant 1 : i32
    scf.for %scan3A_24 = %scan3A to %scan3A_4 step %scan3A_5  : i32 {
      %mul3A_25 = arith.constant 2 : i32
      %mul3A_26 = arith.muli %scan3A_24, %mul3A_25 : i32
      %add3A_27 = arith.constant 0 : i32
      %add3A_28 = arith.addi %add3A_27, %mul3A_26 : i32
      %add3A_29 = arith.constant 0 : i32
      %add3A_30 = arith.addi %add3A_28, %add3A_29 : i32
      %add3A_31 = arith.addi %mul3A_2, %add3A_30 : i32
      %shift_right_logical3A = arith.constant 3 : i32
      %shift_right_logical3A_32 = arith.shrui %add3A_31, %shift_right_logical3A : i32
      %and3A = arith.constant 7 : i32
      %and3A_33 = arith.andi %add3A_31, %and3A : i32
      %eq3A = arith.constant 0 : i32
      %eq3A_34 = arith.cmpi eq, %and3A_33, %eq3A : i32
      %eq3A_35 = arith.constant 0 : i32
      %eq3A_36 = arith.cmpi eq, %add3A_30, %eq3A_35 : i32
      %or3A = arith.ori %eq3A_34, %eq3A_36 : i1
      %convert_element_type3A = arith.extui %or3A : i1 to i32
      %cond3A = arith.constant 0 : i32
      %cond3A_37 = arith.cmpi ne, %convert_element_type3A, %cond3A : i32
      scf.if %cond3A_37 {
        "tpu.region"() ({
          %run_scoped3A = tpu.sem_alloc : memref<!tpu.dma_semaphore, #tpu.memory_space<semaphore_mem>>
          %dma_start3A_280 = arith.constant 0 : i32
          %dma_start3A_281 = tpu.memref_slice %arg2[%shift_right_logical3A_32, %dma_start3A_280] : memref<200x4096xi32, #tpu.memory_space<hbm>> -> memref<1x4096xi32, #tpu.memory_space<hbm>>
          %dma_start3A_282 = tpu.memref_squeeze %dma_start3A_281 : memref<1x4096xi32, #tpu.memory_space<hbm>> -> memref<4096xi32, #tpu.memory_space<hbm>>
          %dma_start3A_283 = arith.constant 0 : i32
          %dma_start3A_284 = tpu.memref_slice %arg2[%shift_right_logical3A_32, %dma_start3A_283] : memref<200x4096xi32, #tpu.memory_space<hbm>> -> memref<1x4096xi32, #tpu.memory_space<hbm>>
          %dma_start3A_285 = tpu.memref_squeeze %dma_start3A_284 : memref<1x4096xi32, #tpu.memory_space<hbm>> -> memref<4096xi32, #tpu.memory_space<hbm>>
          tpu.enqueue_dma source(%dma_start3A_285 : memref<4096xi32, #tpu.memory_space<hbm>>) target(%arg7 : memref<4096xi32, #tpu.memory_space<vmem>>) target_semaphore(%run_scoped3A : memref<!tpu.dma_semaphore, #tpu.memory_space<semaphore_mem>>)
          %dma_wait3A_286 = arith.constant 0 : i32
          %dma_wait3A_287 = tpu.memref_slice %arg2[%shift_right_logical3A_32, %dma_wait3A_286] : memref<200x4096xi32, #tpu.memory_space<hbm>> -> memref<1x4096xi32, #tpu.memory_space<hbm>>
          %dma_wait3A_288 = tpu.memref_squeeze %dma_wait3A_287 : memref<1x4096xi32, #tpu.memory_space<hbm>> -> memref<4096xi32, #tpu.memory_space<hbm>>
          %dma_wait3A_289 = arith.constant 0 : i32
          %dma_wait3A_290 = tpu.memref_slice %arg2[%shift_right_logical3A_32, %dma_wait3A_289] : memref<200x4096xi32, #tpu.memory_space<hbm>> -> memref<1x4096xi32, #tpu.memory_space<hbm>>
          %dma_wait3A_291 = tpu.memref_squeeze %dma_wait3A_290 : memref<1x4096xi32, #tpu.memory_space<hbm>> -> memref<4096xi32, #tpu.memory_space<hbm>>
          tpu.wait_dma2 semaphore(%run_scoped3A : memref<!tpu.dma_semaphore, #tpu.memory_space<semaphore_mem>>) src(%dma_wait3A_291 : memref<4096xi32, #tpu.memory_space<hbm>>) dst(%arg7 : memref<4096xi32, #tpu.memory_space<vmem>>)
          tpu.yield
        }) : () -> ()
        "tpu.region"() ({
          %run_scoped3A = tpu.sem_alloc : memref<!tpu.dma_semaphore, #tpu.memory_space<semaphore_mem>>
          %dma_start3A_280 = arith.constant 0 : i32
          %dma_start3A_281 = tpu.memref_slice %arg3[%shift_right_logical3A_32, %dma_start3A_280] : memref<200x4096xf32, #tpu.memory_space<hbm>> -> memref<1x4096xf32, #tpu.memory_space<hbm>>
          %dma_start3A_282 = tpu.memref_squeeze %dma_start3A_281 : memref<1x4096xf32, #tpu.memory_space<hbm>> -> memref<4096xf32, #tpu.memory_space<hbm>>
          %dma_start3A_283 = arith.constant 0 : i32
          %dma_start3A_284 = tpu.memref_slice %arg3[%shift_right_logical3A_32, %dma_start3A_283] : memref<200x4096xf32, #tpu.memory_space<hbm>> -> memref<1x4096xf32, #tpu.memory_space<hbm>>
          %dma_start3A_285 = tpu.memref_squeeze %dma_start3A_284 : memref<1x4096xf32, #tpu.memory_space<hbm>> -> memref<4096xf32, #tpu.memory_space<hbm>>
          tpu.enqueue_dma source(%dma_start3A_285 : memref<4096xf32, #tpu.memory_space<hbm>>) target(%arg8 : memref<4096xf32, #tpu.memory_space<vmem>>) target_semaphore(%run_scoped3A : memref<!tpu.dma_semaphore, #tpu.memory_space<semaphore_mem>>)
          %dma_wait3A_286 = arith.constant 0 : i32
          %dma_wait3A_287 = tpu.memref_slice %arg3[%shift_right_logical3A_32, %dma_wait3A_286] : memref<200x4096xf32, #tpu.memory_space<hbm>> -> memref<1x4096xf32, #tpu.memory_space<hbm>>
          %dma_wait3A_288 = tpu.memref_squeeze %dma_wait3A_287 : memref<1x4096xf32, #tpu.memory_space<hbm>> -> memref<4096xf32, #tpu.memory_space<hbm>>
          %dma_wait3A_289 = arith.constant 0 : i32
          %dma_wait3A_290 = tpu.memref_slice %arg3[%shift_right_logical3A_32, %dma_wait3A_289] : memref<200x4096xf32, #tpu.memory_space<hbm>> -> memref<1x4096xf32, #tpu.memory_space<hbm>>
          %dma_wait3A_291 = tpu.memref_squeeze %dma_wait3A_290 : memref<1x4096xf32, #tpu.memory_space<hbm>> -> memref<4096xf32, #tpu.memory_space<hbm>>
          tpu.wait_dma2 semaphore(%run_scoped3A : memref<!tpu.dma_semaphore, #tpu.memory_space<semaphore_mem>>) src(%dma_wait3A_291 : memref<4096xf32, #tpu.memory_space<hbm>>) dst(%arg8 : memref<4096xf32, #tpu.memory_space<vmem>>)
          tpu.yield
        }) : () -> ()
      } else {
      }
      %ge3A = arith.constant 2 : i32
      %ge3A_38 = arith.cmpi sge, %add3A_28, %ge3A : i32
      %convert_element_type3A_39 = arith.extui %ge3A_38 : i1 to i32
      %cond3A_40 = arith.constant 0 : i32
      %cond3A_41 = arith.cmpi ne, %convert_element_type3A_39, %cond3A_40 : i32
      scf.if %cond3A_41 {
        %mul3A_280 = arith.constant 8 : i32
        %mul3A_281 = arith.muli %and3A_33, %mul3A_280 : i32
        %dma_wait3A_282 = arith.constant 0 : i32
        %dma_wait3A_283 = tpu.memref_slice %arg6[%shift_right_logical3A_32, %mul3A_281, %dma_wait3A_282] : memref<200x64x4096xf32, #tpu.memory_space<hbm>> -> memref<1x8x4096xf32, #tpu.memory_space<hbm>>
        %dma_wait3A_284 = tpu.memref_squeeze %dma_wait3A_283 : memref<1x8x4096xf32, #tpu.memory_space<hbm>> -> memref<8x4096xf32, #tpu.memory_space<hbm>>
        %dma_wait3A_285 = arith.constant 0 : i32
        %dma_wait3A_286 = tpu.memref_slice %arg6[%shift_right_logical3A_32, %mul3A_281, %dma_wait3A_285] : memref<200x64x4096xf32, #tpu.memory_space<hbm>> -> memref<1x8x4096xf32, #tpu.memory_space<hbm>>
        %dma_wait3A_287 = tpu.memref_squeeze %dma_wait3A_286 : memref<1x8x4096xf32, #tpu.memory_space<hbm>> -> memref<8x4096xf32, #tpu.memory_space<hbm>>
        tpu.wait_dma2 semaphore(%arg13 : memref<!tpu.dma_semaphore, #tpu.memory_space<semaphore_mem>>) src(%arg11 : memref<8x4096xf32, #tpu.memory_space<vmem>>) dst(%dma_wait3A_287 : memref<8x4096xf32, #tpu.memory_space<hbm>>)
      } else {
      }
      %mul3A_42 = arith.constant 8 : i32
      %mul3A_43 = arith.muli %and3A_33, %mul3A_42 : i32
      %get3A = arith.index_cast %mul3A_43 : i32 to index
      %get3A_44 = tpu.vector_load %arg10[%get3A] {strides = array<i32>} : memref<80xf32, #tpu.memory_space<vmem>>, vector<16xf32>,
      %broadcast_in_dim3A = arith.constant 0 : i32
      %broadcast_in_dim3A_45 = vector.broadcast %broadcast_in_dim3A : i32 to vector<16xi32>
      %lt3A = arith.constant 0 : i32
      %lt3A_46 = vector.broadcast %lt3A : i32 to vector<16xi32>
      %lt3A_47 = arith.cmpi slt, %broadcast_in_dim3A_45, %lt3A_46 : vector<16xi32>
      %add3A_48 = arith.constant 16 : i32
      %add3A_49 = vector.broadcast %add3A_48 : i32 to vector<16xi32>
      %add3A_50 = arith.addi %broadcast_in_dim3A_45, %add3A_49 : vector<16xi32>
      %select_n3A = arith.select %lt3A_47, %add3A_50, %broadcast_in_dim3A_45 : vector<16xi1>, vector<16xi32>
      %reshape3A = vector.shape_cast %select_n3A : vector<16xi32> to vector<16x1xi32>
      %gather3A = vector.shape_cast %reshape3A : vector<16x1xi32> to vector<16xi32>
      %gather3A_51 = tpu.dynamic_gather %get3A_44[%gather3A] in [0] : vector<16xf32>, vector<16xi32> -> vector<16xf32>
      %broadcast_in_dim3A_52 = arith.constant 1 : i32
      %broadcast_in_dim3A_53 = vector.broadcast %broadcast_in_dim3A_52 : i32 to vector<16xi32>
      %lt3A_54 = arith.constant 0 : i32
      %lt3A_55 = vector.broadcast %lt3A_54 : i32 to vector<16xi32>
      %lt3A_56 = arith.cmpi slt, %broadcast_in_dim3A_53, %lt3A_55 : vector<16xi32>
      %add3A_57 = arith.constant 16 : i32
      %add3A_58 = vector.broadcast %add3A_57 : i32 to vector<16xi32>
      %add3A_59 = arith.addi %broadcast_in_dim3A_53, %add3A_58 : vector<16xi32>
      %select_n3A_60 = arith.select %lt3A_56, %add3A_59, %broadcast_in_dim3A_53 : vector<16xi1>, vector<16xi32>
      %reshape3A_61 = vector.shape_cast %select_n3A_60 : vector<16xi32> to vector<16x1xi32>
      %gather3A_62 = vector.shape_cast %reshape3A_61 : vector<16x1xi32> to vector<16xi32>
      %gather3A_63 = tpu.dynamic_gather %get3A_44[%gather3A_62] in [0] : vector<16xf32>, vector<16xi32> -> vector<16xf32>
      %broadcast_in_dim3A_64 = arith.constant 2 : i32
      %broadcast_in_dim3A_65 = vector.broadcast %broadcast_in_dim3A_64 : i32 to vector<16xi32>
      %lt3A_66 = arith.constant 0 : i32
      %lt3A_67 = vector.broadcast %lt3A_66 : i32 to vector<16xi32>
      %lt3A_68 = arith.cmpi slt, %broadcast_in_dim3A_65, %lt3A_67 : vector<16xi32>
      %add3A_69 = arith.constant 16 : i32
      %add3A_70 = vector.broadcast %add3A_69 : i32 to vector<16xi32>
      %add3A_71 = arith.addi %broadcast_in_dim3A_65, %add3A_70 : vector<16xi32>
      %select_n3A_72 = arith.select %lt3A_68, %add3A_71, %broadcast_in_dim3A_65 : vector<16xi1>, vector<16xi32>
      %reshape3A_73 = vector.shape_cast %select_n3A_72 : vector<16xi32> to vector<16x1xi32>
      %gather3A_74 = vector.shape_cast %reshape3A_73 : vector<16x1xi32> to vector<16xi32>
      %gather3A_75 = tpu.dynamic_gather %get3A_44[%gather3A_74] in [0] : vector<16xf32>, vector<16xi32> -> vector<16xf32>
      %broadcast_in_dim3A_76 = arith.constant 3 : i32
      %broadcast_in_dim3A_77 = vector.broadcast %broadcast_in_dim3A_76 : i32 to vector<16xi32>
      %lt3A_78 = arith.constant 0 : i32
      %lt3A_79 = vector.broadcast %lt3A_78 : i32 to vector<16xi32>
      %lt3A_80 = arith.cmpi slt, %broadcast_in_dim3A_77, %lt3A_79 : vector<16xi32>
      %add3A_81 = arith.constant 16 : i32
      %add3A_82 = vector.broadcast %add3A_81 : i32 to vector<16xi32>
      %add3A_83 = arith.addi %broadcast_in_dim3A_77, %add3A_82 : vector<16xi32>
      %select_n3A_84 = arith.select %lt3A_80, %add3A_83, %broadcast_in_dim3A_77 : vector<16xi1>, vector<16xi32>
      %reshape3A_85 = vector.shape_cast %select_n3A_84 : vector<16xi32> to vector<16x1xi32>
      %gather3A_86 = vector.shape_cast %reshape3A_85 : vector<16x1xi32> to vector<16xi32>
      %gather3A_87 = tpu.dynamic_gather %get3A_44[%gather3A_86] in [0] : vector<16xf32>, vector<16xi32> -> vector<16xf32>
      %broadcast_in_dim3A_88 = arith.constant 4 : i32
      %broadcast_in_dim3A_89 = vector.broadcast %broadcast_in_dim3A_88 : i32 to vector<16xi32>
      %lt3A_90 = arith.constant 0 : i32
      %lt3A_91 = vector.broadcast %lt3A_90 : i32 to vector<16xi32>
      %lt3A_92 = arith.cmpi slt, %broadcast_in_dim3A_89, %lt3A_91 : vector<16xi32>
      %add3A_93 = arith.constant 16 : i32
      %add3A_94 = vector.broadcast %add3A_93 : i32 to vector<16xi32>
      %add3A_95 = arith.addi %broadcast_in_dim3A_89, %add3A_94 : vector<16xi32>
      %select_n3A_96 = arith.select %lt3A_92, %add3A_95, %broadcast_in_dim3A_89 : vector<16xi1>, vector<16xi32>
      %reshape3A_97 = vector.shape_cast %select_n3A_96 : vector<16xi32> to vector<16x1xi32>
      %gather3A_98 = vector.shape_cast %reshape3A_97 : vector<16x1xi32> to vector<16xi32>
      %gather3A_99 = tpu.dynamic_gather %get3A_44[%gather3A_98] in [0] : vector<16xf32>, vector<16xi32> -> vector<16xf32>
      %broadcast_in_dim3A_100 = arith.constant 5 : i32
      %broadcast_in_dim3A_101 = vector.broadcast %broadcast_in_dim3A_100 : i32 to vector<16xi32>
      %lt3A_102 = arith.constant 0 : i32
      %lt3A_103 = vector.broadcast %lt3A_102 : i32 to vector<16xi32>
      %lt3A_104 = arith.cmpi slt, %broadcast_in_dim3A_101, %lt3A_103 : vector<16xi32>
      %add3A_105 = arith.constant 16 : i32
      %add3A_106 = vector.broadcast %add3A_105 : i32 to vector<16xi32>
      %add3A_107 = arith.addi %broadcast_in_dim3A_101, %add3A_106 : vector<16xi32>
      %select_n3A_108 = arith.select %lt3A_104, %add3A_107, %broadcast_in_dim3A_101 : vector<16xi1>, vector<16xi32>
      %reshape3A_109 = vector.shape_cast %select_n3A_108 : vector<16xi32> to vector<16x1xi32>
      %gather3A_110 = vector.shape_cast %reshape3A_109 : vector<16x1xi32> to vector<16xi32>
      %gather3A_111 = tpu.dynamic_gather %get3A_44[%gather3A_110] in [0] : vector<16xf32>, vector<16xi32> -> vector<16xf32>
      %broadcast_in_dim3A_112 = arith.constant 6 : i32
      %broadcast_in_dim3A_113 = vector.broadcast %broadcast_in_dim3A_112 : i32 to vector<16xi32>
      %lt3A_114 = arith.constant 0 : i32
      %lt3A_115 = vector.broadcast %lt3A_114 : i32 to vector<16xi32>
      %lt3A_116 = arith.cmpi slt, %broadcast_in_dim3A_113, %lt3A_115 : vector<16xi32>
      %add3A_117 = arith.constant 16 : i32
      %add3A_118 = vector.broadcast %add3A_117 : i32 to vector<16xi32>
      %add3A_119 = arith.addi %broadcast_in_dim3A_113, %add3A_118 : vector<16xi32>
      %select_n3A_120 = arith.select %lt3A_116, %add3A_119, %broadcast_in_dim3A_113 : vector<16xi1>, vector<16xi32>
      %reshape3A_121 = vector.shape_cast %select_n3A_120 : vector<16xi32> to vector<16x1xi32>
      %gather3A_122 = vector.shape_cast %reshape3A_121 : vector<16x1xi32> to vector<16xi32>
      %gather3A_123 = tpu.dynamic_gather %get3A_44[%gather3A_122] in [0] : vector<16xf32>, vector<16xi32> -> vector<16xf32>
      %broadcast_in_dim3A_124 = arith.constant 7 : i32
      %broadcast_in_dim3A_125 = vector.broadcast %broadcast_in_dim3A_124 : i32 to vector<16xi32>
      %lt3A_126 = arith.constant 0 : i32
      %lt3A_127 = vector.broadcast %lt3A_126 : i32 to vector<16xi32>
      %lt3A_128 = arith.cmpi slt, %broadcast_in_dim3A_125, %lt3A_127 : vector<16xi32>
      %add3A_129 = arith.constant 16 : i32
      %add3A_130 = vector.broadcast %add3A_129 : i32 to vector<16xi32>
      %add3A_131 = arith.addi %broadcast_in_dim3A_125, %add3A_130 : vector<16xi32>
      %select_n3A_132 = arith.select %lt3A_128, %add3A_131, %broadcast_in_dim3A_125 : vector<16xi1>, vector<16xi32>
      %reshape3A_133 = vector.shape_cast %select_n3A_132 : vector<16xi32> to vector<16x1xi32>
      %gather3A_134 = vector.shape_cast %reshape3A_133 : vector<16x1xi32> to vector<16xi32>
      %gather3A_135 = tpu.dynamic_gather %get3A_44[%gather3A_134] in [0] : vector<16xf32>, vector<16xi32> -> vector<16xf32>
      %mul3A_136 = arith.constant 512 : i32
      %mul3A_137 = arith.muli %and3A_33, %mul3A_136 : i32
      %parallel_loop3A = arith.constant 0 : i32
      %parallel_loop3A_138 = arith.constant 4096 : i32
      %parallel_loop3A_139 = arith.constant 16 : i32
      scf.for %parallel_loop3A_280 = %parallel_loop3A to %parallel_loop3A_138 step %parallel_loop3A_139  : i32 {
        %parallel_loop3A_281 = arith.index_cast %parallel_loop3A_280 : i32 to index
        %parallel_loop3A_282 = tpu.vector_load %arg7[%parallel_loop3A_281] {strides = array<i32>} : memref<4096xi32, #tpu.memory_space<vmem>>, vector<16xi32>,
        %parallel_loop3A_283 = vector.broadcast %mul3A_137 : i32 to vector<16xi32>
        %parallel_loop3A_284 = arith.addi %parallel_loop3A_282, %parallel_loop3A_283 : vector<16xi32>
        %parallel_loop3A_285 = arith.index_cast %parallel_loop3A_280 : i32 to index
        %parallel_loop3A_286 = tpu.vector_load %arg8[%parallel_loop3A_285] {strides = array<i32>} : memref<4096xf32, #tpu.memory_space<vmem>>, vector<16xf32>,
        %parallel_loop3A_287 = arith.constant 0 : i32
        %parallel_loop3A_288 = tpu.memref_slice %arg9[%parallel_loop3A_287] : memref<4096xf32, #tpu.memory_space<vmem>> -> memref<4096xf32, #tpu.memory_space<vmem>>
        %parallel_loop3A_289 = tpu.vector_load_idx %parallel_loop3A_288[%parallel_loop3A_284] : memref<4096xf32, #tpu.memory_space<vmem>>[vector<16xi32>], vector<16xf32>,
        %parallel_loop3A_290 = arith.mulf %parallel_loop3A_286, %gather3A_51 : vector<16xf32>
        %parallel_loop3A_291 = arith.addf %parallel_loop3A_289, %parallel_loop3A_290 : vector<16xf32>
        %parallel_loop3A_292 = arith.constant 0 : i32
        %parallel_loop3A_293 = arith.index_cast %parallel_loop3A_292 : i32 to index
        %parallel_loop3A_294 = arith.index_cast %parallel_loop3A_280 : i32 to index
        %parallel_loop3A_295 = tpu.vector_load %arg11[%parallel_loop3A_293, %parallel_loop3A_294] {strides = array<i32>} : memref<8x4096xf32, #tpu.memory_space<vmem>>, vector<16xf32>,
        tpu.vector_store %arg11[%parallel_loop3A_293, %parallel_loop3A_294], %parallel_loop3A_291 {strides = array<i32>} : memref<8x4096xf32, #tpu.memory_space<vmem>>, vector<16xf32>,
        %parallel_loop3A_296 = arith.constant 64 : i32
        %parallel_loop3A_297 = tpu.memref_slice %arg9[%parallel_loop3A_296] : memref<4096xf32, #tpu.memory_space<vmem>> -> memref<4032xf32, #tpu.memory_space<vmem>>
        %parallel_loop3A_298 = tpu.vector_load_idx %parallel_loop3A_297[%parallel_loop3A_284] : memref<4032xf32, #tpu.memory_space<vmem>>[vector<16xi32>], vector<16xf32>,
        %parallel_loop3A_299 = arith.mulf %parallel_loop3A_286, %gather3A_63 : vector<16xf32>
        %parallel_loop3A_300 = arith.addf %parallel_loop3A_298, %parallel_loop3A_299 : vector<16xf32>
        %parallel_loop3A_301 = arith.constant 1 : i32
        %parallel_loop3A_302 = arith.index_cast %parallel_loop3A_301 : i32 to index
        %parallel_loop3A_303 = arith.index_cast %parallel_loop3A_280 : i32 to index
        %parallel_loop3A_304 = tpu.vector_load %arg11[%parallel_loop3A_302, %parallel_loop3A_303] {strides = array<i32>} : memref<8x4096xf32, #tpu.memory_space<vmem>>, vector<16xf32>,
        tpu.vector_store %arg11[%parallel_loop3A_302, %parallel_loop3A_303], %parallel_loop3A_300 {strides = array<i32>} : memref<8x4096xf32, #tpu.memory_space<vmem>>, vector<16xf32>,
        %parallel_loop3A_305 = arith.constant 128 : i32
        %parallel_loop3A_306 = tpu.memref_slice %arg9[%parallel_loop3A_305] : memref<4096xf32, #tpu.memory_space<vmem>> -> memref<3968xf32, #tpu.memory_space<vmem>>
        %parallel_loop3A_307 = tpu.vector_load_idx %parallel_loop3A_306[%parallel_loop3A_284] : memref<3968xf32, #tpu.memory_space<vmem>>[vector<16xi32>], vector<16xf32>,
        %parallel_loop3A_308 = arith.mulf %parallel_loop3A_286, %gather3A_75 : vector<16xf32>
        %parallel_loop3A_309 = arith.addf %parallel_loop3A_307, %parallel_loop3A_308 : vector<16xf32>
        %parallel_loop3A_310 = arith.constant 2 : i32
        %parallel_loop3A_311 = arith.index_cast %parallel_loop3A_310 : i32 to index
        %parallel_loop3A_312 = arith.index_cast %parallel_loop3A_280 : i32 to index
        %parallel_loop3A_313 = tpu.vector_load %arg11[%parallel_loop3A_311, %parallel_loop3A_312] {strides = array<i32>} : memref<8x4096xf32, #tpu.memory_space<vmem>>, vector<16xf32>,
        tpu.vector_store %arg11[%parallel_loop3A_311, %parallel_loop3A_312], %parallel_loop3A_309 {strides = array<i32>} : memref<8x4096xf32, #tpu.memory_space<vmem>>, vector<16xf32>,
        %parallel_loop3A_314 = arith.constant 192 : i32
        %parallel_loop3A_315 = tpu.memref_slice %arg9[%parallel_loop3A_314] : memref<4096xf32, #tpu.memory_space<vmem>> -> memref<3904xf32, #tpu.memory_space<vmem>>
        %parallel_loop3A_316 = tpu.vector_load_idx %parallel_loop3A_315[%parallel_loop3A_284] : memref<3904xf32, #tpu.memory_space<vmem>>[vector<16xi32>], vector<16xf32>,
        %parallel_loop3A_317 = arith.mulf %parallel_loop3A_286, %gather3A_87 : vector<16xf32>
        %parallel_loop3A_318 = arith.addf %parallel_loop3A_316, %parallel_loop3A_317 : vector<16xf32>
        %parallel_loop3A_319 = arith.constant 3 : i32
        %parallel_loop3A_320 = arith.index_cast %parallel_loop3A_319 : i32 to index
        %parallel_loop3A_321 = arith.index_cast %parallel_loop3A_280 : i32 to index
        %parallel_loop3A_322 = tpu.vector_load %arg11[%parallel_loop3A_320, %parallel_loop3A_321] {strides = array<i32>} : memref<8x4096xf32, #tpu.memory_space<vmem>>, vector<16xf32>,
        tpu.vector_store %arg11[%parallel_loop3A_320, %parallel_loop3A_321], %parallel_loop3A_318 {strides = array<i32>} : memref<8x4096xf32, #tpu.memory_space<vmem>>, vector<16xf32>,
        %parallel_loop3A_323 = arith.constant 256 : i32
        %parallel_loop3A_324 = tpu.memref_slice %arg9[%parallel_loop3A_323] : memref<4096xf32, #tpu.memory_space<vmem>> -> memref<3840xf32, #tpu.memory_space<vmem>>
        %parallel_loop3A_325 = tpu.vector_load_idx %parallel_loop3A_324[%parallel_loop3A_284] : memref<3840xf32, #tpu.memory_space<vmem>>[vector<16xi32>], vector<16xf32>,
        %parallel_loop3A_326 = arith.mulf %parallel_loop3A_286, %gather3A_99 : vector<16xf32>
        %parallel_loop3A_327 = arith.addf %parallel_loop3A_325, %parallel_loop3A_326 : vector<16xf32>
        %parallel_loop3A_328 = arith.constant 4 : i32
        %parallel_loop3A_329 = arith.index_cast %parallel_loop3A_328 : i32 to index
        %parallel_loop3A_330 = arith.index_cast %parallel_loop3A_280 : i32 to index
        %parallel_loop3A_331 = tpu.vector_load %arg11[%parallel_loop3A_329, %parallel_loop3A_330] {strides = array<i32>} : memref<8x4096xf32, #tpu.memory_space<vmem>>, vector<16xf32>,
        tpu.vector_store %arg11[%parallel_loop3A_329, %parallel_loop3A_330], %parallel_loop3A_327 {strides = array<i32>} : memref<8x4096xf32, #tpu.memory_space<vmem>>, vector<16xf32>,
        %parallel_loop3A_332 = arith.constant 320 : i32
        %parallel_loop3A_333 = tpu.memref_slice %arg9[%parallel_loop3A_332] : memref<4096xf32, #tpu.memory_space<vmem>> -> memref<3776xf32, #tpu.memory_space<vmem>>
        %parallel_loop3A_334 = tpu.vector_load_idx %parallel_loop3A_333[%parallel_loop3A_284] : memref<3776xf32, #tpu.memory_space<vmem>>[vector<16xi32>], vector<16xf32>,
        %parallel_loop3A_335 = arith.mulf %parallel_loop3A_286, %gather3A_111 : vector<16xf32>
        %parallel_loop3A_336 = arith.addf %parallel_loop3A_334, %parallel_loop3A_335 : vector<16xf32>
        %parallel_loop3A_337 = arith.constant 5 : i32
        %parallel_loop3A_338 = arith.index_cast %parallel_loop3A_337 : i32 to index
        %parallel_loop3A_339 = arith.index_cast %parallel_loop3A_280 : i32 to index
        %parallel_loop3A_340 = tpu.vector_load %arg11[%parallel_loop3A_338, %parallel_loop3A_339] {strides = array<i32>} : memref<8x4096xf32, #tpu.memory_space<vmem>>, vector<16xf32>,
        tpu.vector_store %arg11[%parallel_loop3A_338, %parallel_loop3A_339], %parallel_loop3A_336 {strides = array<i32>} : memref<8x4096xf32, #tpu.memory_space<vmem>>, vector<16xf32>,
        %parallel_loop3A_341 = arith.constant 384 : i32
        %parallel_loop3A_342 = tpu.memref_slice %arg9[%parallel_loop3A_341] : memref<4096xf32, #tpu.memory_space<vmem>> -> memref<3712xf32, #tpu.memory_space<vmem>>
        %parallel_loop3A_343 = tpu.vector_load_idx %parallel_loop3A_342[%parallel_loop3A_284] : memref<3712xf32, #tpu.memory_space<vmem>>[vector<16xi32>], vector<16xf32>,
        %parallel_loop3A_344 = arith.mulf %parallel_loop3A_286, %gather3A_123 : vector<16xf32>
        %parallel_loop3A_345 = arith.addf %parallel_loop3A_343, %parallel_loop3A_344 : vector<16xf32>
        %parallel_loop3A_346 = arith.constant 6 : i32
        %parallel_loop3A_347 = arith.index_cast %parallel_loop3A_346 : i32 to index
        %parallel_loop3A_348 = arith.index_cast %parallel_loop3A_280 : i32 to index
        %parallel_loop3A_349 = tpu.vector_load %arg11[%parallel_loop3A_347, %parallel_loop3A_348] {strides = array<i32>} : memref<8x4096xf32, #tpu.memory_space<vmem>>, vector<16xf32>,
        tpu.vector_store %arg11[%parallel_loop3A_347, %parallel_loop3A_348], %parallel_loop3A_345 {strides = array<i32>} : memref<8x4096xf32, #tpu.memory_space<vmem>>, vector<16xf32>,
        %parallel_loop3A_350 = arith.constant 448 : i32
        %parallel_loop3A_351 = tpu.memref_slice %arg9[%parallel_loop3A_350] : memref<4096xf32, #tpu.memory_space<vmem>> -> memref<3648xf32, #tpu.memory_space<vmem>>
        %parallel_loop3A_352 = tpu.vector_load_idx %parallel_loop3A_351[%parallel_loop3A_284] : memref<3648xf32, #tpu.memory_space<vmem>>[vector<16xi32>], vector<16xf32>,
        %parallel_loop3A_353 = arith.mulf %parallel_loop3A_286, %gather3A_135 : vector<16xf32>
        %parallel_loop3A_354 = arith.addf %parallel_loop3A_352, %parallel_loop3A_353 : vector<16xf32>
        %parallel_loop3A_355 = arith.constant 7 : i32
        %parallel_loop3A_356 = arith.index_cast %parallel_loop3A_355 : i32 to index
        %parallel_loop3A_357 = arith.index_cast %parallel_loop3A_280 : i32 to index
        %parallel_loop3A_358 = tpu.vector_load %arg11[%parallel_loop3A_356, %parallel_loop3A_357] {strides = array<i32>} : memref<8x4096xf32, #tpu.memory_space<vmem>>, vector<16xf32>,
        tpu.vector_store %arg11[%parallel_loop3A_356, %parallel_loop3A_357], %parallel_loop3A_354 {strides = array<i32>} : memref<8x4096xf32, #tpu.memory_space<vmem>>, vector<16xf32>,
      } {sc.loop_unroll_factor = 8 : i64, sc.parallel_access}
      %mul3A_140 = arith.constant 8 : i32
      %mul3A_141 = arith.muli %and3A_33, %mul3A_140 : i32
      %dma_start3A = arith.constant 0 : i32
      %dma_start3A_142 = tpu.memref_slice %arg6[%shift_right_logical3A_32, %mul3A_141, %dma_start3A] : memref<200x64x4096xf32, #tpu.memory_space<hbm>> -> memref<1x8x4096xf32, #tpu.memory_space<hbm>>
      %dma_start3A_143 = tpu.memref_squeeze %dma_start3A_142 : memref<1x8x4096xf32, #tpu.memory_space<hbm>> -> memref<8x4096xf32, #tpu.memory_space<hbm>>
      %dma_start3A_144 = arith.constant 0 : i32
      %dma_start3A_145 = tpu.memref_slice %arg6[%shift_right_logical3A_32, %mul3A_141, %dma_start3A_144] : memref<200x64x4096xf32, #tpu.memory_space<hbm>> -> memref<1x8x4096xf32, #tpu.memory_space<hbm>>
      %dma_start3A_146 = tpu.memref_squeeze %dma_start3A_145 : memref<1x8x4096xf32, #tpu.memory_space<hbm>> -> memref<8x4096xf32, #tpu.memory_space<hbm>>
      tpu.enqueue_dma source(%arg11 : memref<8x4096xf32, #tpu.memory_space<vmem>>) target(%dma_start3A_146 : memref<8x4096xf32, #tpu.memory_space<hbm>>) target_semaphore(%arg13 : memref<!tpu.dma_semaphore, #tpu.memory_space<semaphore_mem>>)
      %add3A_147 = arith.constant 1 : i32
      %add3A_148 = arith.addi %add3A_28, %add3A_147 : i32
      %add3A_149 = arith.addi %mul3A_2, %add3A_148 : i32
      %shift_right_logical3A_150 = arith.constant 3 : i32
      %shift_right_logical3A_151 = arith.shrui %add3A_149, %shift_right_logical3A_150 : i32
      %and3A_152 = arith.constant 7 : i32
      %and3A_153 = arith.andi %add3A_149, %and3A_152 : i32
      %eq3A_154 = arith.constant 0 : i32
      %eq3A_155 = arith.cmpi eq, %and3A_153, %eq3A_154 : i32
      %eq3A_156 = arith.constant 0 : i32
      %eq3A_157 = arith.cmpi eq, %add3A_148, %eq3A_156 : i32
      %or3A_158 = arith.ori %eq3A_155, %eq3A_157 : i1
      %convert_element_type3A_159 = arith.extui %or3A_158 : i1 to i32
      %cond3A_160 = arith.constant 0 : i32
      %cond3A_161 = arith.cmpi ne, %convert_element_type3A_159, %cond3A_160 : i32
      scf.if %cond3A_161 {
        "tpu.region"() ({
          %run_scoped3A = tpu.sem_alloc : memref<!tpu.dma_semaphore, #tpu.memory_space<semaphore_mem>>
          %dma_start3A_280 = arith.constant 0 : i32
          %dma_start3A_281 = tpu.memref_slice %arg2[%shift_right_logical3A_151, %dma_start3A_280] : memref<200x4096xi32, #tpu.memory_space<hbm>> -> memref<1x4096xi32, #tpu.memory_space<hbm>>
          %dma_start3A_282 = tpu.memref_squeeze %dma_start3A_281 : memref<1x4096xi32, #tpu.memory_space<hbm>> -> memref<4096xi32, #tpu.memory_space<hbm>>
          %dma_start3A_283 = arith.constant 0 : i32
          %dma_start3A_284 = tpu.memref_slice %arg2[%shift_right_logical3A_151, %dma_start3A_283] : memref<200x4096xi32, #tpu.memory_space<hbm>> -> memref<1x4096xi32, #tpu.memory_space<hbm>>
          %dma_start3A_285 = tpu.memref_squeeze %dma_start3A_284 : memref<1x4096xi32, #tpu.memory_space<hbm>> -> memref<4096xi32, #tpu.memory_space<hbm>>
          tpu.enqueue_dma source(%dma_start3A_285 : memref<4096xi32, #tpu.memory_space<hbm>>) target(%arg7 : memref<4096xi32, #tpu.memory_space<vmem>>) target_semaphore(%run_scoped3A : memref<!tpu.dma_semaphore, #tpu.memory_space<semaphore_mem>>)
          %dma_wait3A_286 = arith.constant 0 : i32
          %dma_wait3A_287 = tpu.memref_slice %arg2[%shift_right_logical3A_151, %dma_wait3A_286] : memref<200x4096xi32, #tpu.memory_space<hbm>> -> memref<1x4096xi32, #tpu.memory_space<hbm>>
          %dma_wait3A_288 = tpu.memref_squeeze %dma_wait3A_287 : memref<1x4096xi32, #tpu.memory_space<hbm>> -> memref<4096xi32, #tpu.memory_space<hbm>>
          %dma_wait3A_289 = arith.constant 0 : i32
          %dma_wait3A_290 = tpu.memref_slice %arg2[%shift_right_logical3A_151, %dma_wait3A_289] : memref<200x4096xi32, #tpu.memory_space<hbm>> -> memref<1x4096xi32, #tpu.memory_space<hbm>>
          %dma_wait3A_291 = tpu.memref_squeeze %dma_wait3A_290 : memref<1x4096xi32, #tpu.memory_space<hbm>> -> memref<4096xi32, #tpu.memory_space<hbm>>
          tpu.wait_dma2 semaphore(%run_scoped3A : memref<!tpu.dma_semaphore, #tpu.memory_space<semaphore_mem>>) src(%dma_wait3A_291 : memref<4096xi32, #tpu.memory_space<hbm>>) dst(%arg7 : memref<4096xi32, #tpu.memory_space<vmem>>)
          tpu.yield
        }) : () -> ()
        "tpu.region"() ({
          %run_scoped3A = tpu.sem_alloc : memref<!tpu.dma_semaphore, #tpu.memory_space<semaphore_mem>>
          %dma_start3A_280 = arith.constant 0 : i32
          %dma_start3A_281 = tpu.memref_slice %arg3[%shift_right_logical3A_151, %dma_start3A_280] : memref<200x4096xf32, #tpu.memory_space<hbm>> -> memref<1x4096xf32, #tpu.memory_space<hbm>>
          %dma_start3A_282 = tpu.memref_squeeze %dma_start3A_281 : memref<1x4096xf32, #tpu.memory_space<hbm>> -> memref<4096xf32, #tpu.memory_space<hbm>>
          %dma_start3A_283 = arith.constant 0 : i32
          %dma_start3A_284 = tpu.memref_slice %arg3[%shift_right_logical3A_151, %dma_start3A_283] : memref<200x4096xf32, #tpu.memory_space<hbm>> -> memref<1x4096xf32, #tpu.memory_space<hbm>>
          %dma_start3A_285 = tpu.memref_squeeze %dma_start3A_284 : memref<1x4096xf32, #tpu.memory_space<hbm>> -> memref<4096xf32, #tpu.memory_space<hbm>>
          tpu.enqueue_dma source(%dma_start3A_285 : memref<4096xf32, #tpu.memory_space<hbm>>) target(%arg8 : memref<4096xf32, #tpu.memory_space<vmem>>) target_semaphore(%run_scoped3A : memref<!tpu.dma_semaphore, #tpu.memory_space<semaphore_mem>>)
          %dma_wait3A_286 = arith.constant 0 : i32
          %dma_wait3A_287 = tpu.memref_slice %arg3[%shift_right_logical3A_151, %dma_wait3A_286] : memref<200x4096xf32, #tpu.memory_space<hbm>> -> memref<1x4096xf32, #tpu.memory_space<hbm>>
          %dma_wait3A_288 = tpu.memref_squeeze %dma_wait3A_287 : memref<1x4096xf32, #tpu.memory_space<hbm>> -> memref<4096xf32, #tpu.memory_space<hbm>>
          %dma_wait3A_289 = arith.constant 0 : i32
          %dma_wait3A_290 = tpu.memref_slice %arg3[%shift_right_logical3A_151, %dma_wait3A_289] : memref<200x4096xf32, #tpu.memory_space<hbm>> -> memref<1x4096xf32, #tpu.memory_space<hbm>>
          %dma_wait3A_291 = tpu.memref_squeeze %dma_wait3A_290 : memref<1x4096xf32, #tpu.memory_space<hbm>> -> memref<4096xf32, #tpu.memory_space<hbm>>
          tpu.wait_dma2 semaphore(%run_scoped3A : memref<!tpu.dma_semaphore, #tpu.memory_space<semaphore_mem>>) src(%dma_wait3A_291 : memref<4096xf32, #tpu.memory_space<hbm>>) dst(%arg8 : memref<4096xf32, #tpu.memory_space<vmem>>)
          tpu.yield
        }) : () -> ()
      } else {
      }
      %ge3A_162 = arith.constant 2 : i32
      %ge3A_163 = arith.cmpi sge, %add3A_28, %ge3A_162 : i32
      %convert_element_type3A_164 = arith.extui %ge3A_163 : i1 to i32
      %cond3A_165 = arith.constant 0 : i32
      %cond3A_166 = arith.cmpi ne, %convert_element_type3A_164, %cond3A_165 : i32
      scf.if %cond3A_166 {
        %mul3A_280 = arith.constant 8 : i32
        %mul3A_281 = arith.muli %and3A_153, %mul3A_280 : i32
        %dma_wait3A_282 = arith.constant 0 : i32
        %dma_wait3A_283 = tpu.memref_slice %arg6[%shift_right_logical3A_151, %mul3A_281, %dma_wait3A_282] : memref<200x64x4096xf32, #tpu.memory_space<hbm>> -> memref<1x8x4096xf32, #tpu.memory_space<hbm>>
        %dma_wait3A_284 = tpu.memref_squeeze %dma_wait3A_283 : memref<1x8x4096xf32, #tpu.memory_space<hbm>> -> memref<8x4096xf32, #tpu.memory_space<hbm>>
        %dma_wait3A_285 = arith.constant 0 : i32
        %dma_wait3A_286 = tpu.memref_slice %arg6[%shift_right_logical3A_151, %mul3A_281, %dma_wait3A_285] : memref<200x64x4096xf32, #tpu.memory_space<hbm>> -> memref<1x8x4096xf32, #tpu.memory_space<hbm>>
        %dma_wait3A_287 = tpu.memref_squeeze %dma_wait3A_286 : memref<1x8x4096xf32, #tpu.memory_space<hbm>> -> memref<8x4096xf32, #tpu.memory_space<hbm>>
        tpu.wait_dma2 semaphore(%arg14 : memref<!tpu.dma_semaphore, #tpu.memory_space<semaphore_mem>>) src(%arg12 : memref<8x4096xf32, #tpu.memory_space<vmem>>) dst(%dma_wait3A_287 : memref<8x4096xf32, #tpu.memory_space<hbm>>)
      } else {
      }
      %mul3A_167 = arith.constant 8 : i32
      %mul3A_168 = arith.muli %and3A_153, %mul3A_167 : i32
      %get3A_169 = arith.index_cast %mul3A_168 : i32 to index
      %get3A_170 = tpu.vector_load %arg10[%get3A_169] {strides = array<i32>} : memref<80xf32, #tpu.memory_space<vmem>>, vector<16xf32>,
      %broadcast_in_dim3A_171 = arith.constant 0 : i32
      %broadcast_in_dim3A_172 = vector.broadcast %broadcast_in_dim3A_171 : i32 to vector<16xi32>
      %lt3A_173 = arith.constant 0 : i32
      %lt3A_174 = vector.broadcast %lt3A_173 : i32 to vector<16xi32>
      %lt3A_175 = arith.cmpi slt, %broadcast_in_dim3A_172, %lt3A_174 : vector<16xi32>
      %add3A_176 = arith.constant 16 : i32
      %add3A_177 = vector.broadcast %add3A_176 : i32 to vector<16xi32>
      %add3A_178 = arith.addi %broadcast_in_dim3A_172, %add3A_177 : vector<16xi32>
      %select_n3A_179 = arith.select %lt3A_175, %add3A_178, %broadcast_in_dim3A_172 : vector<16xi1>, vector<16xi32>
      %reshape3A_180 = vector.shape_cast %select_n3A_179 : vector<16xi32> to vector<16x1xi32>
      %gather3A_181 = vector.shape_cast %reshape3A_180 : vector<16x1xi32> to vector<16xi32>
      %gather3A_182 = tpu.dynamic_gather %get3A_170[%gather3A_181] in [0] : vector<16xf32>, vector<16xi32> -> vector<16xf32>
      %broadcast_in_dim3A_183 = arith.constant 1 : i32
      %broadcast_in_dim3A_184 = vector.broadcast %broadcast_in_dim3A_183 : i32 to vector<16xi32>
      %lt3A_185 = arith.constant 0 : i32
      %lt3A_186 = vector.broadcast %lt3A_185 : i32 to vector<16xi32>
      %lt3A_187 = arith.cmpi slt, %broadcast_in_dim3A_184, %lt3A_186 : vector<16xi32>
      %add3A_188 = arith.constant 16 : i32
      %add3A_189 = vector.broadcast %add3A_188 : i32 to vector<16xi32>
      %add3A_190 = arith.addi %broadcast_in_dim3A_184, %add3A_189 : vector<16xi32>
      %select_n3A_191 = arith.select %lt3A_187, %add3A_190, %broadcast_in_dim3A_184 : vector<16xi1>, vector<16xi32>
      %reshape3A_192 = vector.shape_cast %select_n3A_191 : vector<16xi32> to vector<16x1xi32>
      %gather3A_193 = vector.shape_cast %reshape3A_192 : vector<16x1xi32> to vector<16xi32>
      %gather3A_194 = tpu.dynamic_gather %get3A_170[%gather3A_193] in [0] : vector<16xf32>, vector<16xi32> -> vector<16xf32>
      %broadcast_in_dim3A_195 = arith.constant 2 : i32
      %broadcast_in_dim3A_196 = vector.broadcast %broadcast_in_dim3A_195 : i32 to vector<16xi32>
      %lt3A_197 = arith.constant 0 : i32
      %lt3A_198 = vector.broadcast %lt3A_197 : i32 to vector<16xi32>
      %lt3A_199 = arith.cmpi slt, %broadcast_in_dim3A_196, %lt3A_198 : vector<16xi32>
      %add3A_200 = arith.constant 16 : i32
      %add3A_201 = vector.broadcast %add3A_200 : i32 to vector<16xi32>
      %add3A_202 = arith.addi %broadcast_in_dim3A_196, %add3A_201 : vector<16xi32>
      %select_n3A_203 = arith.select %lt3A_199, %add3A_202, %broadcast_in_dim3A_196 : vector<16xi1>, vector<16xi32>
      %reshape3A_204 = vector.shape_cast %select_n3A_203 : vector<16xi32> to vector<16x1xi32>
      %gather3A_205 = vector.shape_cast %reshape3A_204 : vector<16x1xi32> to vector<16xi32>
      %gather3A_206 = tpu.dynamic_gather %get3A_170[%gather3A_205] in [0] : vector<16xf32>, vector<16xi32> -> vector<16xf32>
      %broadcast_in_dim3A_207 = arith.constant 3 : i32
      %broadcast_in_dim3A_208 = vector.broadcast %broadcast_in_dim3A_207 : i32 to vector<16xi32>
      %lt3A_209 = arith.constant 0 : i32
      %lt3A_210 = vector.broadcast %lt3A_209 : i32 to vector<16xi32>
      %lt3A_211 = arith.cmpi slt, %broadcast_in_dim3A_208, %lt3A_210 : vector<16xi32>
      %add3A_212 = arith.constant 16 : i32
      %add3A_213 = vector.broadcast %add3A_212 : i32 to vector<16xi32>
      %add3A_214 = arith.addi %broadcast_in_dim3A_208, %add3A_213 : vector<16xi32>
      %select_n3A_215 = arith.select %lt3A_211, %add3A_214, %broadcast_in_dim3A_208 : vector<16xi1>, vector<16xi32>
      %reshape3A_216 = vector.shape_cast %select_n3A_215 : vector<16xi32> to vector<16x1xi32>
      %gather3A_217 = vector.shape_cast %reshape3A_216 : vector<16x1xi32> to vector<16xi32>
      %gather3A_218 = tpu.dynamic_gather %get3A_170[%gather3A_217] in [0] : vector<16xf32>, vector<16xi32> -> vector<16xf32>
      %broadcast_in_dim3A_219 = arith.constant 4 : i32
      %broadcast_in_dim3A_220 = vector.broadcast %broadcast_in_dim3A_219 : i32 to vector<16xi32>
      %lt3A_221 = arith.constant 0 : i32
      %lt3A_222 = vector.broadcast %lt3A_221 : i32 to vector<16xi32>
      %lt3A_223 = arith.cmpi slt, %broadcast_in_dim3A_220, %lt3A_222 : vector<16xi32>
      %add3A_224 = arith.constant 16 : i32
      %add3A_225 = vector.broadcast %add3A_224 : i32 to vector<16xi32>
      %add3A_226 = arith.addi %broadcast_in_dim3A_220, %add3A_225 : vector<16xi32>
      %select_n3A_227 = arith.select %lt3A_223, %add3A_226, %broadcast_in_dim3A_220 : vector<16xi1>, vector<16xi32>
      %reshape3A_228 = vector.shape_cast %select_n3A_227 : vector<16xi32> to vector<16x1xi32>
      %gather3A_229 = vector.shape_cast %reshape3A_228 : vector<16x1xi32> to vector<16xi32>
      %gather3A_230 = tpu.dynamic_gather %get3A_170[%gather3A_229] in [0] : vector<16xf32>, vector<16xi32> -> vector<16xf32>
      %broadcast_in_dim3A_231 = arith.constant 5 : i32
      %broadcast_in_dim3A_232 = vector.broadcast %broadcast_in_dim3A_231 : i32 to vector<16xi32>
      %lt3A_233 = arith.constant 0 : i32
      %lt3A_234 = vector.broadcast %lt3A_233 : i32 to vector<16xi32>
      %lt3A_235 = arith.cmpi slt, %broadcast_in_dim3A_232, %lt3A_234 : vector<16xi32>
      %add3A_236 = arith.constant 16 : i32
      %add3A_237 = vector.broadcast %add3A_236 : i32 to vector<16xi32>
      %add3A_238 = arith.addi %broadcast_in_dim3A_232, %add3A_237 : vector<16xi32>
      %select_n3A_239 = arith.select %lt3A_235, %add3A_238, %broadcast_in_dim3A_232 : vector<16xi1>, vector<16xi32>
      %reshape3A_240 = vector.shape_cast %select_n3A_239 : vector<16xi32> to vector<16x1xi32>
      %gather3A_241 = vector.shape_cast %reshape3A_240 : vector<16x1xi32> to vector<16xi32>
      %gather3A_242 = tpu.dynamic_gather %get3A_170[%gather3A_241] in [0] : vector<16xf32>, vector<16xi32> -> vector<16xf32>
      %broadcast_in_dim3A_243 = arith.constant 6 : i32
      %broadcast_in_dim3A_244 = vector.broadcast %broadcast_in_dim3A_243 : i32 to vector<16xi32>
      %lt3A_245 = arith.constant 0 : i32
      %lt3A_246 = vector.broadcast %lt3A_245 : i32 to vector<16xi32>
      %lt3A_247 = arith.cmpi slt, %broadcast_in_dim3A_244, %lt3A_246 : vector<16xi32>
      %add3A_248 = arith.constant 16 : i32
      %add3A_249 = vector.broadcast %add3A_248 : i32 to vector<16xi32>
      %add3A_250 = arith.addi %broadcast_in_dim3A_244, %add3A_249 : vector<16xi32>
      %select_n3A_251 = arith.select %lt3A_247, %add3A_250, %broadcast_in_dim3A_244 : vector<16xi1>, vector<16xi32>
      %reshape3A_252 = vector.shape_cast %select_n3A_251 : vector<16xi32> to vector<16x1xi32>
      %gather3A_253 = vector.shape_cast %reshape3A_252 : vector<16x1xi32> to vector<16xi32>
      %gather3A_254 = tpu.dynamic_gather %get3A_170[%gather3A_253] in [0] : vector<16xf32>, vector<16xi32> -> vector<16xf32>
      %broadcast_in_dim3A_255 = arith.constant 7 : i32
      %broadcast_in_dim3A_256 = vector.broadcast %broadcast_in_dim3A_255 : i32 to vector<16xi32>
      %lt3A_257 = arith.constant 0 : i32
      %lt3A_258 = vector.broadcast %lt3A_257 : i32 to vector<16xi32>
      %lt3A_259 = arith.cmpi slt, %broadcast_in_dim3A_256, %lt3A_258 : vector<16xi32>
      %add3A_260 = arith.constant 16 : i32
      %add3A_261 = vector.broadcast %add3A_260 : i32 to vector<16xi32>
      %add3A_262 = arith.addi %broadcast_in_dim3A_256, %add3A_261 : vector<16xi32>
      %select_n3A_263 = arith.select %lt3A_259, %add3A_262, %broadcast_in_dim3A_256 : vector<16xi1>, vector<16xi32>
      %reshape3A_264 = vector.shape_cast %select_n3A_263 : vector<16xi32> to vector<16x1xi32>
      %gather3A_265 = vector.shape_cast %reshape3A_264 : vector<16x1xi32> to vector<16xi32>
      %gather3A_266 = tpu.dynamic_gather %get3A_170[%gather3A_265] in [0] : vector<16xf32>, vector<16xi32> -> vector<16xf32>
      %mul3A_267 = arith.constant 512 : i32
      %mul3A_268 = arith.muli %and3A_153, %mul3A_267 : i32
      %parallel_loop3A_269 = arith.constant 0 : i32
      %parallel_loop3A_270 = arith.constant 4096 : i32
      %parallel_loop3A_271 = arith.constant 16 : i32
      scf.for %parallel_loop3A_280 = %parallel_loop3A_269 to %parallel_loop3A_270 step %parallel_loop3A_271  : i32 {
        %parallel_loop3A_281 = arith.index_cast %parallel_loop3A_280 : i32 to index
        %parallel_loop3A_282 = tpu.vector_load %arg7[%parallel_loop3A_281] {strides = array<i32>} : memref<4096xi32, #tpu.memory_space<vmem>>, vector<16xi32>,
        %parallel_loop3A_283 = vector.broadcast %mul3A_268 : i32 to vector<16xi32>
        %parallel_loop3A_284 = arith.addi %parallel_loop3A_282, %parallel_loop3A_283 : vector<16xi32>
        %parallel_loop3A_285 = arith.index_cast %parallel_loop3A_280 : i32 to index
        %parallel_loop3A_286 = tpu.vector_load %arg8[%parallel_loop3A_285] {strides = array<i32>} : memref<4096xf32, #tpu.memory_space<vmem>>, vector<16xf32>,
        %parallel_loop3A_287 = arith.constant 0 : i32
        %parallel_loop3A_288 = tpu.memref_slice %arg9[%parallel_loop3A_287] : memref<4096xf32, #tpu.memory_space<vmem>> -> memref<4096xf32, #tpu.memory_space<vmem>>
        %parallel_loop3A_289 = tpu.vector_load_idx %parallel_loop3A_288[%parallel_loop3A_284] : memref<4096xf32, #tpu.memory_space<vmem>>[vector<16xi32>], vector<16xf32>,
        %parallel_loop3A_290 = arith.mulf %parallel_loop3A_286, %gather3A_182 : vector<16xf32>
        %parallel_loop3A_291 = arith.addf %parallel_loop3A_289, %parallel_loop3A_290 : vector<16xf32>
        %parallel_loop3A_292 = arith.constant 0 : i32
        %parallel_loop3A_293 = arith.index_cast %parallel_loop3A_292 : i32 to index
        %parallel_loop3A_294 = arith.index_cast %parallel_loop3A_280 : i32 to index
        %parallel_loop3A_295 = tpu.vector_load %arg12[%parallel_loop3A_293, %parallel_loop3A_294] {strides = array<i32>} : memref<8x4096xf32, #tpu.memory_space<vmem>>, vector<16xf32>,
        tpu.vector_store %arg12[%parallel_loop3A_293, %parallel_loop3A_294], %parallel_loop3A_291 {strides = array<i32>} : memref<8x4096xf32, #tpu.memory_space<vmem>>, vector<16xf32>,
        %parallel_loop3A_296 = arith.constant 64 : i32
        %parallel_loop3A_297 = tpu.memref_slice %arg9[%parallel_loop3A_296] : memref<4096xf32, #tpu.memory_space<vmem>> -> memref<4032xf32, #tpu.memory_space<vmem>>
        %parallel_loop3A_298 = tpu.vector_load_idx %parallel_loop3A_297[%parallel_loop3A_284] : memref<4032xf32, #tpu.memory_space<vmem>>[vector<16xi32>], vector<16xf32>,
        %parallel_loop3A_299 = arith.mulf %parallel_loop3A_286, %gather3A_194 : vector<16xf32>
        %parallel_loop3A_300 = arith.addf %parallel_loop3A_298, %parallel_loop3A_299 : vector<16xf32>
        %parallel_loop3A_301 = arith.constant 1 : i32
        %parallel_loop3A_302 = arith.index_cast %parallel_loop3A_301 : i32 to index
        %parallel_loop3A_303 = arith.index_cast %parallel_loop3A_280 : i32 to index
        %parallel_loop3A_304 = tpu.vector_load %arg12[%parallel_loop3A_302, %parallel_loop3A_303] {strides = array<i32>} : memref<8x4096xf32, #tpu.memory_space<vmem>>, vector<16xf32>,
        tpu.vector_store %arg12[%parallel_loop3A_302, %parallel_loop3A_303], %parallel_loop3A_300 {strides = array<i32>} : memref<8x4096xf32, #tpu.memory_space<vmem>>, vector<16xf32>,
        %parallel_loop3A_305 = arith.constant 128 : i32
        %parallel_loop3A_306 = tpu.memref_slice %arg9[%parallel_loop3A_305] : memref<4096xf32, #tpu.memory_space<vmem>> -> memref<3968xf32, #tpu.memory_space<vmem>>
        %parallel_loop3A_307 = tpu.vector_load_idx %parallel_loop3A_306[%parallel_loop3A_284] : memref<3968xf32, #tpu.memory_space<vmem>>[vector<16xi32>], vector<16xf32>,
        %parallel_loop3A_308 = arith.mulf %parallel_loop3A_286, %gather3A_206 : vector<16xf32>
        %parallel_loop3A_309 = arith.addf %parallel_loop3A_307, %parallel_loop3A_308 : vector<16xf32>
        %parallel_loop3A_310 = arith.constant 2 : i32
        %parallel_loop3A_311 = arith.index_cast %parallel_loop3A_310 : i32 to index
        %parallel_loop3A_312 = arith.index_cast %parallel_loop3A_280 : i32 to index
        %parallel_loop3A_313 = tpu.vector_load %arg12[%parallel_loop3A_311, %parallel_loop3A_312] {strides = array<i32>} : memref<8x4096xf32, #tpu.memory_space<vmem>>, vector<16xf32>,
        tpu.vector_store %arg12[%parallel_loop3A_311, %parallel_loop3A_312], %parallel_loop3A_309 {strides = array<i32>} : memref<8x4096xf32, #tpu.memory_space<vmem>>, vector<16xf32>,
        %parallel_loop3A_314 = arith.constant 192 : i32
        %parallel_loop3A_315 = tpu.memref_slice %arg9[%parallel_loop3A_314] : memref<4096xf32, #tpu.memory_space<vmem>> -> memref<3904xf32, #tpu.memory_space<vmem>>
        %parallel_loop3A_316 = tpu.vector_load_idx %parallel_loop3A_315[%parallel_loop3A_284] : memref<3904xf32, #tpu.memory_space<vmem>>[vector<16xi32>], vector<16xf32>,
        %parallel_loop3A_317 = arith.mulf %parallel_loop3A_286, %gather3A_218 : vector<16xf32>
        %parallel_loop3A_318 = arith.addf %parallel_loop3A_316, %parallel_loop3A_317 : vector<16xf32>
        %parallel_loop3A_319 = arith.constant 3 : i32
        %parallel_loop3A_320 = arith.index_cast %parallel_loop3A_319 : i32 to index
        %parallel_loop3A_321 = arith.index_cast %parallel_loop3A_280 : i32 to index
        %parallel_loop3A_322 = tpu.vector_load %arg12[%parallel_loop3A_320, %parallel_loop3A_321] {strides = array<i32>} : memref<8x4096xf32, #tpu.memory_space<vmem>>, vector<16xf32>,
        tpu.vector_store %arg12[%parallel_loop3A_320, %parallel_loop3A_321], %parallel_loop3A_318 {strides = array<i32>} : memref<8x4096xf32, #tpu.memory_space<vmem>>, vector<16xf32>,
        %parallel_loop3A_323 = arith.constant 256 : i32
        %parallel_loop3A_324 = tpu.memref_slice %arg9[%parallel_loop3A_323] : memref<4096xf32, #tpu.memory_space<vmem>> -> memref<3840xf32, #tpu.memory_space<vmem>>
        %parallel_loop3A_325 = tpu.vector_load_idx %parallel_loop3A_324[%parallel_loop3A_284] : memref<3840xf32, #tpu.memory_space<vmem>>[vector<16xi32>], vector<16xf32>,
        %parallel_loop3A_326 = arith.mulf %parallel_loop3A_286, %gather3A_230 : vector<16xf32>
        %parallel_loop3A_327 = arith.addf %parallel_loop3A_325, %parallel_loop3A_326 : vector<16xf32>
        %parallel_loop3A_328 = arith.constant 4 : i32
        %parallel_loop3A_329 = arith.index_cast %parallel_loop3A_328 : i32 to index
        %parallel_loop3A_330 = arith.index_cast %parallel_loop3A_280 : i32 to index
        %parallel_loop3A_331 = tpu.vector_load %arg12[%parallel_loop3A_329, %parallel_loop3A_330] {strides = array<i32>} : memref<8x4096xf32, #tpu.memory_space<vmem>>, vector<16xf32>,
        tpu.vector_store %arg12[%parallel_loop3A_329, %parallel_loop3A_330], %parallel_loop3A_327 {strides = array<i32>} : memref<8x4096xf32, #tpu.memory_space<vmem>>, vector<16xf32>,
        %parallel_loop3A_332 = arith.constant 320 : i32
        %parallel_loop3A_333 = tpu.memref_slice %arg9[%parallel_loop3A_332] : memref<4096xf32, #tpu.memory_space<vmem>> -> memref<3776xf32, #tpu.memory_space<vmem>>
        %parallel_loop3A_334 = tpu.vector_load_idx %parallel_loop3A_333[%parallel_loop3A_284] : memref<3776xf32, #tpu.memory_space<vmem>>[vector<16xi32>], vector<16xf32>,
        %parallel_loop3A_335 = arith.mulf %parallel_loop3A_286, %gather3A_242 : vector<16xf32>
        %parallel_loop3A_336 = arith.addf %parallel_loop3A_334, %parallel_loop3A_335 : vector<16xf32>
        %parallel_loop3A_337 = arith.constant 5 : i32
        %parallel_loop3A_338 = arith.index_cast %parallel_loop3A_337 : i32 to index
        %parallel_loop3A_339 = arith.index_cast %parallel_loop3A_280 : i32 to index
        %parallel_loop3A_340 = tpu.vector_load %arg12[%parallel_loop3A_338, %parallel_loop3A_339] {strides = array<i32>} : memref<8x4096xf32, #tpu.memory_space<vmem>>, vector<16xf32>,
        tpu.vector_store %arg12[%parallel_loop3A_338, %parallel_loop3A_339], %parallel_loop3A_336 {strides = array<i32>} : memref<8x4096xf32, #tpu.memory_space<vmem>>, vector<16xf32>,
        %parallel_loop3A_341 = arith.constant 384 : i32
        %parallel_loop3A_342 = tpu.memref_slice %arg9[%parallel_loop3A_341] : memref<4096xf32, #tpu.memory_space<vmem>> -> memref<3712xf32, #tpu.memory_space<vmem>>
        %parallel_loop3A_343 = tpu.vector_load_idx %parallel_loop3A_342[%parallel_loop3A_284] : memref<3712xf32, #tpu.memory_space<vmem>>[vector<16xi32>], vector<16xf32>,
        %parallel_loop3A_344 = arith.mulf %parallel_loop3A_286, %gather3A_254 : vector<16xf32>
        %parallel_loop3A_345 = arith.addf %parallel_loop3A_343, %parallel_loop3A_344 : vector<16xf32>
        %parallel_loop3A_346 = arith.constant 6 : i32
        %parallel_loop3A_347 = arith.index_cast %parallel_loop3A_346 : i32 to index
        %parallel_loop3A_348 = arith.index_cast %parallel_loop3A_280 : i32 to index
        %parallel_loop3A_349 = tpu.vector_load %arg12[%parallel_loop3A_347, %parallel_loop3A_348] {strides = array<i32>} : memref<8x4096xf32, #tpu.memory_space<vmem>>, vector<16xf32>,
        tpu.vector_store %arg12[%parallel_loop3A_347, %parallel_loop3A_348], %parallel_loop3A_345 {strides = array<i32>} : memref<8x4096xf32, #tpu.memory_space<vmem>>, vector<16xf32>,
        %parallel_loop3A_350 = arith.constant 448 : i32
        %parallel_loop3A_351 = tpu.memref_slice %arg9[%parallel_loop3A_350] : memref<4096xf32, #tpu.memory_space<vmem>> -> memref<3648xf32, #tpu.memory_space<vmem>>
        %parallel_loop3A_352 = tpu.vector_load_idx %parallel_loop3A_351[%parallel_loop3A_284] : memref<3648xf32, #tpu.memory_space<vmem>>[vector<16xi32>], vector<16xf32>,
        %parallel_loop3A_353 = arith.mulf %parallel_loop3A_286, %gather3A_266 : vector<16xf32>
        %parallel_loop3A_354 = arith.addf %parallel_loop3A_352, %parallel_loop3A_353 : vector<16xf32>
        %parallel_loop3A_355 = arith.constant 7 : i32
        %parallel_loop3A_356 = arith.index_cast %parallel_loop3A_355 : i32 to index
        %parallel_loop3A_357 = arith.index_cast %parallel_loop3A_280 : i32 to index
        %parallel_loop3A_358 = tpu.vector_load %arg12[%parallel_loop3A_356, %parallel_loop3A_357] {strides = array<i32>} : memref<8x4096xf32, #tpu.memory_space<vmem>>, vector<16xf32>,
        tpu.vector_store %arg12[%parallel_loop3A_356, %parallel_loop3A_357], %parallel_loop3A_354 {strides = array<i32>} : memref<8x4096xf32, #tpu.memory_space<vmem>>, vector<16xf32>,
      } {sc.loop_unroll_factor = 8 : i64, sc.parallel_access}
      %mul3A_272 = arith.constant 8 : i32
      %mul3A_273 = arith.muli %and3A_153, %mul3A_272 : i32
      %dma_start3A_274 = arith.constant 0 : i32
      %dma_start3A_275 = tpu.memref_slice %arg6[%shift_right_logical3A_151, %mul3A_273, %dma_start3A_274] : memref<200x64x4096xf32, #tpu.memory_space<hbm>> -> memref<1x8x4096xf32, #tpu.memory_space<hbm>>
      %dma_start3A_276 = tpu.memref_squeeze %dma_start3A_275 : memref<1x8x4096xf32, #tpu.memory_space<hbm>> -> memref<8x4096xf32, #tpu.memory_space<hbm>>
      %dma_start3A_277 = arith.constant 0 : i32
      %dma_start3A_278 = tpu.memref_slice %arg6[%shift_right_logical3A_151, %mul3A_273, %dma_start3A_277] : memref<200x64x4096xf32, #tpu.memory_space<hbm>> -> memref<1x8x4096xf32, #tpu.memory_space<hbm>>
      %dma_start3A_279 = tpu.memref_squeeze %dma_start3A_278 : memref<1x8x4096xf32, #tpu.memory_space<hbm>> -> memref<8x4096xf32, #tpu.memory_space<hbm>>
      tpu.enqueue_dma source(%arg12 : memref<8x4096xf32, #tpu.memory_space<vmem>>) target(%dma_start3A_279 : memref<8x4096xf32, #tpu.memory_space<hbm>>) target_semaphore(%arg14 : memref<!tpu.dma_semaphore, #tpu.memory_space<semaphore_mem>>)
    }
    %scan3A_6 = arith.constant 25 : i32
    %dma_wait3A = arith.constant 0 : i32
    %dma_wait3A_7 = arith.constant 0 : i32
    %dma_wait3A_8 = arith.constant 0 : i32
    %dma_wait3A_9 = tpu.memref_slice %arg6[%dma_wait3A, %dma_wait3A_7, %dma_wait3A_8] : memref<200x64x4096xf32, #tpu.memory_space<hbm>> -> memref<1x8x4096xf32, #tpu.memory_space<hbm>>
    %dma_wait3A_10 = tpu.memref_squeeze %dma_wait3A_9 : memref<1x8x4096xf32, #tpu.memory_space<hbm>> -> memref<8x4096xf32, #tpu.memory_space<hbm>>
    %dma_wait3A_11 = arith.constant 0 : i32
    %dma_wait3A_12 = arith.constant 0 : i32
    %dma_wait3A_13 = tpu.memref_slice %arg6[%dma_wait3A, %dma_wait3A_11, %dma_wait3A_12] : memref<200x64x4096xf32, #tpu.memory_space<hbm>> -> memref<1x8x4096xf32, #tpu.memory_space<hbm>>
    %dma_wait3A_14 = tpu.memref_squeeze %dma_wait3A_13 : memref<1x8x4096xf32, #tpu.memory_space<hbm>> -> memref<8x4096xf32, #tpu.memory_space<hbm>>
    tpu.wait_dma2 semaphore(%arg13 : memref<!tpu.dma_semaphore, #tpu.memory_space<semaphore_mem>>) src(%arg11 : memref<8x4096xf32, #tpu.memory_space<vmem>>) dst(%dma_wait3A_14 : memref<8x4096xf32, #tpu.memory_space<hbm>>)
    %dma_wait3A_15 = arith.constant 0 : i32
    %dma_wait3A_16 = arith.constant 0 : i32
    %dma_wait3A_17 = arith.constant 0 : i32
    %dma_wait3A_18 = tpu.memref_slice %arg6[%dma_wait3A_15, %dma_wait3A_16, %dma_wait3A_17] : memref<200x64x4096xf32, #tpu.memory_space<hbm>> -> memref<1x8x4096xf32, #tpu.memory_space<hbm>>
    %dma_wait3A_19 = tpu.memref_squeeze %dma_wait3A_18 : memref<1x8x4096xf32, #tpu.memory_space<hbm>> -> memref<8x4096xf32, #tpu.memory_space<hbm>>
    %dma_wait3A_20 = arith.constant 0 : i32
    %dma_wait3A_21 = arith.constant 0 : i32
    %dma_wait3A_22 = tpu.memref_slice %arg6[%dma_wait3A_15, %dma_wait3A_20, %dma_wait3A_21] : memref<200x64x4096xf32, #tpu.memory_space<hbm>> -> memref<1x8x4096xf32, #tpu.memory_space<hbm>>
    %dma_wait3A_23 = tpu.memref_squeeze %dma_wait3A_22 : memref<1x8x4096xf32, #tpu.memory_space<hbm>> -> memref<8x4096xf32, #tpu.memory_space<hbm>>
    tpu.wait_dma2 semaphore(%arg14 : memref<!tpu.dma_semaphore, #tpu.memory_space<semaphore_mem>>) src(%arg12 : memref<8x4096xf32, #tpu.memory_space<vmem>>) dst(%dma_wait3A_23 : memref<8x4096xf32, #tpu.memory_space<hbm>>)
    return
  }
}

</mosaic_0001>

<sc_bundles>
// kernel: kernel.3.cloned.1.call-start
scs
__scs_entry_jumppad:
0x0: {  	(pc) =	sbr.rel $0x88, $3  }
0x1: {  	(tag) =	ssettag $0x0;
	lr =	simm.s32 $0x1  }
0x2: {  	[smem:$0x3F9D] =	sst lr;
	_ =	strace $0xD0000000  }
0x3: {  	_ = 	snop  }
0x4: {  	_ = 	snop  }
0x5: {  	_ = 	snop  }
0x6: {  	_ = 	snop  }
0x7: {  	_ = 	snop  }
__scs_overlays_trampoline_lowered:
0x8: {  	[smem:$0x3FAC] =	sst s0  }
0x9: {  	[smem:$0x3FAD] =	sst s1  }
0xa: {  	[smem:$0x3FAE] =	sst s2  }
0xb: {  	[smem:$0x3FAF] =	sst s3  }
0xc: {  	[smem:$0x3FB0] =	sst s4  }
0xd: {  	[smem:$0x3FB1] =	sst s5  }
0xe: {  	[smem:$0x3FB2] =	sst s6  }
0xf: {  	[smem:$0x3FB3] =	sst s7  }
0x10: {  	[smem:$0x3FB4] =	sst s8  }
0x11: {  	[smem:$0x3FB5] =	sst s9;
	s0 =	simm.s32 @!p0 $0x0  }
0x12: {  	s1 =	sld [smem:$0x3F9B];
	s0 =	simm.s32 @p0 $0x1  }
0x13: {  	[smem:$0x3FB6] =	sst s0;
	s0 =	simm.s32 @!p1 $0x0  }
0x14: {  	s2 =	sld [smem:$0x3F9A];
	s0 =	simm.s32 @p1 $0x1  }
0x15: {  	[smem:$0x3FB7] =	sst s0;
	s0 =	simm.s32 @!p2 $0x0  }
0x16: {  	s3 =	sld [smem:$0x3FDB];
	s0 =	simm.s32 @p2 $0x1  }
0x17: {  	s4 =	simm.s32 $0x1BF5;
	[smem:$0x3FB9] =	sst s0  }
0x18: {  	s0 =	sld [smem:$0x3F9C];
	_ =	swait.ge [sflag:s4], $0x0  }
0x19: {  	s7 =	sld [smem:$0x3F9D]  }
0x1a: {  	s8 =	sadd.s32 $0xFFFFE003, lr  }
0x1b: {  	s9 =	sadd.s32 $0xFFFFFEF7, lr;
	s5 =	simm.s32 $0xFFFFFFFF;
	p2 =	slt.u32 s8, $0xFFFFF086  }
0x1c: {  	p1 =	slt.u32 s9, $0xF7A;
	s5 =	simm.s32 @!p2 $0x0  }
0x1d: {  	s5 =	simm.s32 @p1 $0x1;
	p0 =	seq.s32 s7, s2  }
0x1e: {  	s7 =	smul.u32 @!p0 $0xF7A, s2;
	p2 =	seq.s32 @!p0 s5, $0x0  }
0x1f: {  	s9 =	smul.u32 $0xF7A, s1;
	s8 =	simm.s32 @!p0 $0x1BF5;
	p2 =	por !p2, p0  }
0x20: {  	[sflag:s8] =	ssyncset.s32 @!p0 $0xFFFFF086;
	s6 =	sadd.s32 @!p0 s3, s7;
	s7 =	simm.s32 @!p0 $0x108  }
0x21: {  	s3 =	sadd.s32 s3, s9;
	s6 =	sadd.s32 @!p0 $0x88, s6;
	s7 =	simm.s32 @p2 $0x1082  }
0x22: {  	[simem:s7], [sflag:s8] =	dma.local @!p0 [hbm:s6], $0xF7A  }
0x23: {  	s9 =	sor.u32 $0xD0000000, s2;
	s6 =	simm.s32 $0x108;
	_ =	swait.ge @!p0 [sflag:s8], $0x0  }
0x24: {  	s3 =	sadd.s32 $0x88, s3;
	s6 =	simm.s32 @!p1 $0x1082;
	[sflag:s4] =	ssyncset.s32 $0xFFFFF086  }
0x25: {  	[simem:s6], [sflag:s4] =	dma.local [hbm:s3], $0xF7A  }
0x26: {  	[smem:$0x3F9D] =	sst s1;
	(tag) =	ssettag s2;
	_ =	strace s9  }
0x27: {  	s1 =	sld [smem:$0x3FAD]  }
0x28: {  	s2 =	sld [smem:$0x3FAE]  }
0x29: {  	s4 =	sld [smem:$0x3FB0]  }
0x2a: {  	p0 =	seq.s32 s5, $0x0;
	s5 =	sld [smem:$0x3FB1]  }
0x2b: {  	s6 =	sld [smem:$0x3FB2]  }
0x2c: {  	s7 =	sld [smem:$0x3FB3]  }
0x2d: {  	s3 =	simm.s32 $0x108;
	s8 =	sld [smem:$0x3FB4]  }
0x2e: {  	s3 =	simm.s32 @!p0 $0x1082;
	s9 =	sld [smem:$0x3FB5]  }
0x2f: {  	lr =	sadd.s32 s0, s3;
	s0 =	sld [smem:$0x3FAC]  }
0x30: {  	s3 =	sld [smem:$0x3FAF]  }
0x31: {  	[smem:$0x3FB8] =	sst s10  }
0x32: {  	s10 =	sld [smem:$0x3FB6];
	_ =	sdelay $0x3  }
0x33: {  	p0 =	seq.s32 s10, $0x1;
	s10 =	sld [smem:$0x3FB8];
	_ =	sdelay $0x3  }
0x34: {  	[smem:$0x3FB8] =	sst s10  }
0x35: {  	s10 =	sld [smem:$0x3FB7];
	_ =	sdelay $0x3  }
0x36: {  	p1 =	seq.s32 s10, $0x1;
	s10 =	sld [smem:$0x3FB8];
	_ =	sdelay $0x3  }
0x37: {  	[smem:$0x3FB8] =	sst s10  }
0x38: {  	s10 =	sld [smem:$0x3FB9]  }
0x39: {  	_ = 	snop;
	(pc) =	sbr.ind lr, $3  }
0x3a: {  	_ = 	snop  }
0x3b: {  	_ = 	snop  }
0x3c: {  	p2 =	seq.s32 s10, $0x1;
	s10 =	sld [smem:$0x3FB8]  }
0x3d: {  	_ =	shalt  }
0x3e: {  	_ =	shalt  }
0x3f: {  	_ =	shalt  }
0x40: {  	_ =	shalt  }
0x41: {  	_ =	shalt  }
0x42: {  	_ =	shalt  }
0x43: {  	_ =	shalt  }
0x44: {  	_ =	shalt  }
0x45: {  	_ =	shalt  }
0x46: {  	_ =	shalt  }
0x47: {  	_ =	shalt  }
0x48: {  	_ =	shalt  }
0x49: {  	_ =	shalt  }
0x4a: {  	_ =	shalt  }
0x4b: {  	_ =	shalt  }
0x4c: {  	_ =	shalt  }
0x4d: {  	_ =	shalt  }
0x4e: {  	_ =	shalt  }
0x4f: {  	_ =	shalt  }
0x50: {  	_ =	shalt  }
0x51: {  	_ =	shalt  }
0x52: {  	_ =	shalt  }
0x53: {  	_ =	shalt  }
0x54: {  	_ =	shalt  }
0x55: {  	_ =	shalt  }
0x56: {  	_ =	shalt  }
0x57: {  	_ =	shalt  }
0x58: {  	_ =	shalt  }
0x59: {  	_ =	shalt  }
0x5a: {  	_ =	shalt  }
0x5b: {  	_ =	shalt  }
0x5c: {  	_ =	shalt  }
0x5d: {  	_ =	shalt  }
0x5e: {  	_ =	shalt  }
0x5f: {  	_ =	shalt  }
0x60: {  	_ =	shalt  }
0x61: {  	_ =	shalt  }
0x62: {  	_ =	shalt  }
0x63: {  	_ =	shalt  }
0x64: {  	_ =	shalt  }
0x65: {  	_ =	shalt  }
0x66: {  	_ =	shalt  }
0x67: {  	_ =	shalt  }
0x68: {  	_ =	shalt  }
0x69: {  	_ =	shalt  }
0x6a: {  	_ =	shalt  }
0x6b: {  	_ =	shalt  }
0x6c: {  	_ =	shalt  }
0x6d: {  	_ =	shalt  }
0x6e: {  	_ =	shalt  }
0x6f: {  	_ =	shalt  }
0x70: {  	_ =	shalt  }
0x71: {  	_ =	shalt  }
0x72: {  	_ =	shalt  }
0x73: {  	_ =	shalt  }
0x74: {  	_ =	shalt  }
0x75: {  	_ =	shalt  }
0x76: {  	_ =	shalt  }
0x77: {  	_ =	shalt  }
0x78: {  	_ =	shalt  }
0x79: {  	_ =	shalt  }
0x7a: {  	_ =	shalt  }
0x7b: {  	_ =	shalt  }
0x7c: {  	_ =	shalt  }
0x7d: {  	_ =	shalt  }
0x7e: {  	_ =	shalt  }
0x7f: {  	_ =	shalt  }
0x80: {  	_ =	shalt  }
0x81: {  	_ =	shalt  }
0x82: {  	_ =	shalt  }
0x83: {  	_ =	shalt  }
0x84: {  	_ =	shalt  }
0x85: {  	_ =	shalt  }
0x86: {  	_ =	shalt  }
0x87: {  	_ =	shalt  }
.Lfunc_end0:
.L_simem_size_0:
called_computation_lowered:
.L_overlay_start_0:
0x88: {  	s2 =	sld [smem:$0x3FD9]  }
0x89: {  	s3 =	sld [smem:$0x3FFE];
	_ =	sdelay $0x1  }
0x8a: {  	s1 =	srdreg.scid  }
0x8b: {  	s0 =	sand.u32 $0x1, s1  }
0x8c: {  	s17 =	sshll.u32 s0, $0xA;
	s2 =	sadd.s32 s3, s2  }
0x8d: {  	s2 =	sadd.s32 s2, s17  }
0x8e: {  	[smem:$0x3FC4] =	sst s2  }
0x8f: {  	_ = 	snop  }
0x90: {  	s2 =	sld [smem:$0x3FC9]  }
0x91: {  	s18 =	sld [smem:$0x3FC8]  }
0x92: {  	s4 =	sld [smem:$0x3FD0];
	(tm) =	ssettm $0x1  }
0x93: {  	s5 =	sld [smem:$0x3FFB];
	_ =	sdelay $0x3  }
0x94: {  	_ =	strace s5  }
0x95: {  	s5 =	sld [smem:$0x3FFC];
	_ =	sdelay $0x3  }
0x96: {  	_ =	strace s5  }
0x97: {  	s5 =	sld [smem:$0x3FFD];
	_ =	sdelay $0x3  }
0x98: {  	_ =	strace s5  }
0x99: {  	_ =	strace $0x8FFFFFFF  }
0x9a: {  	s19 =	sld [smem:$0x3FDB];
	_ =	sdelay $0x1  }
0x9b: {  	s6 =	simm.s32 $_scs_section_size  }
0x9c: {  	s7 =	simm.s32 $_size__tile_overlayer_lowered;
	s8 =	simm.s32 $_tile_overlayer_lowered  }
0x9d: {  	s22 =	simm.s32 $0x1BFF;
	s21 =	sshll.u32 s8, $0x1;
	s5 =	sadd.s32 s6, s19  }
0x9e: {  	s9 =	simm.s32 $0x0;
	s20 =	sshll.u32 s7, $0x1;
	s7 =	sadd.s32 s21, s5  }
0x9f: {  	[timem:s9], [sflag:s22] =	dma.local [hbm:s7], s20  }
0xa0: {  	_ =	swait.ge [sflag:s22], s20  }
0xa1: {  	s6 =	ssub.s32 $0x0, s20;
	[sflag:s22] =	ssyncset.done $0x0  }
0xa2: {  	[sflag:s22] =	ssyncadd.s32 s6;
	_ =	sdelay $0x1  }
0xa3: {  	s23 =	simm.s32 $0x1B8B  }
0xa4: {  	_ =	swait.ge [sflag:s23], $0x1  }
0xa5: {  	[sflag:s23] =	ssyncset.done $0x0  }
0xa6: {  	s25 =	simm.s32 $0x1B8E;
	s24 =	sld [smem:$0x3FFE];
	[sflag:s23] =	ssyncadd.s32 $0xFFFFFFFF  }
0xa7: {  	s26 =	simm.s32 $execute0_lowered;
	[smem:$0x3FD2] =	sst s25  }
0xa8: {  	s7 =	sshll.u32 s26, $0x1;
	_ =	strace $0x80000046;
	[dreg:$0x1] =	wrdreg $0xFFFFFFFF  }
0xa9: {  	s28 =	simm.s32 $_size_execute0_lowered;
	s5 =	sadd.s32 s5, s7;
	[dreg:$0x0] =	wrdreg $0x0  }
0xaa: {  	s7 =	sshll.u32 s28, $0x1;
	[dreg:$0x2] =	wrdreg s5  }
0xab: {  	[dreg:$0x3] =	wrdreg s7  }
0xac: {  	[dreg:$0x4] =	wrdreg $0xC0  }
0xad: {  	_ =	task [dreg:s9], $0x5FFFF  }
0xae: {  	[dreg:$0x1] =	wrdreg $0xFFFFFFFF  }
0xaf: {  	[dreg:$0x0] =	wrdreg $0x60  }
0xb0: {  	[dreg:$0x2] =	wrdreg s2  }
0xb1: {  	[dreg:$0x3] =	wrdreg s18  }
0xb2: {  	[dreg:$0x4] =	wrdreg s24  }
0xb3: {  	[dreg:$0x5] =	wrdreg s4  }
0xb4: {  	[dreg:$0x6] =	wrdreg $0x9  }
0xb5: {  	_ =	task.clear_ibuf [dreg:s9], $0x7FFFF;
	_ =	strace $0x90000046  }
0xb6: {  	s29 =	simm.s32 $0x9;
	_ =	strace $0x80000048  }
0xb7: {  	_ =	swait.ge [sflag:s29], $0x1  }
0xb8: {  	[sflag:s29] =	ssyncadd.s32 $0xFFFFFFFF  }
0xb9: {  	_ =	strace $0x90000048  }
0xba: {  	_ =	sfence  }
0xbb: {  	s30 =	sld [smem:$0x0];
	_ =	sdelay $0x2  }
0xbc: {  	s31 =	sshll.u32 s1, $0xD;
	s1 =	sshrl.u32 s1, $0x2  }
0xbd: {  	s3 =	sand.u32 $0x4000, s31;
	s1 =	sadd.s32 s1, s30  }
0xbe: {  	s0 =	sor.u32 s3, s0;
	s1 =	sshll.u32 s1, $0x11  }
0xbf: {  	s0 =	sor.u32 s1, s0  }
0xc0: {  	s0 =	sadd.s32 $0x8F2B, s0  }
0xc1: {  	[sflag:s0] =	ssyncadd.remote.s32 $0x1  }
0xc2: {  	_ =	sfence.sel $0xFFFF  }
0xc3: {  	[dreg:$0x0] =	wrdreg $0xFFFFFFFF;
	(pc) =	sbr.abs _section_cstart, $3  }
0xc4: {  	[dreg:$0x1] =	wrdreg $0xFFFFFFFF  }
0xc5: {  	_ =	task.clear_ibuf [dreg:s9], $0x2FFFF;
	_ =	strace $0x9FFFFFFF  }
0xc6: {  	(tm) =	ssettm $0x7FFFFFFF  }
0xc7: {  	_ =	shalt  }
tec
execute0_lowered:
.L_overlay_start_1:
0x0: {  	(tag) =	ssettag $0x1  }
0x1: {  	s1 =	rddreg [dreg:$0x0]  }
0x2: {  	s2 =	rddreg [dreg:$0x1]  }
0x3: {  	s0 =	rddreg [dreg:$0x2]  }
0x4: {  	s3 =	rddreg [dreg:$0x3];
	s4 =	srdreg.scid;
	s5 =	simm.s32 $0x0  }
0x5: {  	s6 =	stileid.u32;
	s11 =	simm.s32 $0x3;
	s13 =	simm.s32 $0x2040  }
0x6: {  	s14 =	simm.s32 $0x2080;
	s15 =	simm.s32 $0x20C0;
	s16 =	simm.s32 $0x2100  }
0x7: {  	s17 =	simm.s32 $0x2140;
	s18 =	simm.s32 $0x2180;
	s19 =	simm.s32 $0x21C0  }
0x8: {  	s20 =	simm.s32 $0x3080;
	s21 =	simm.s32 $0xB080;
	s22 =	simm.s32 $0x1  }
0x9: {  	s23 =	simm.s32 $0x2;
	s24 =	simm.s32 $0x0;
	s4 =	sand.u32 $0x1, s4  }
0xa: {  	[smem:$0x7FF] =	sst s5;
	s9 =	sshll.u32 s6, $0x1;
	s7 =	ssub.s32 $0x2, s4  }
0xb: {  	v0 =	vimm.s32 $0x0;
	v1 =	vimm.s32 $0x1;
	s6 =	sadd.s32 $0x400, s0;
	_ =	strace $0x80000047;
	s8 =	sshrl.u32 s7, $0x1  }
0xc: {  	v2 =	vimm.s32 $0x2;
	v3 =	vimm.s32 $0x3;
	v4 =	vimm.s32 $0x4;
	s4 =	sor.u32 s4, s9;
	s10 =	ssub.s32 s7, s8;
	s7 =	sadd.s32 $0x600, s0  }
0xd: {  	v5 =	vimm.s32 $0x5;
	v6 =	vimm.s32 $0x6;
	v7 =	vimm.s32 $0x7;
	s8 =	smul.u32 $0x32, s4;
	s9 =	smax.u32 s10, $0x1;
	s10 =	simm.s32 $0x2000  }
.LBB2_1:
0xe: {  	[tilespmem:s10], [sflag:$0x3] =	stream.linear.gather [hbm4b:s6+s5], $0x1000, $0x38;
	[tilespmem:$0x13080] =	vst v63  }
0xf: {  	_ =	swait.ge [sflag:s11], $0x1000  }
0x10: {  	[sflag:s11] =	ssyncset.done $0x0  }
0x11: {  	s0 =	simm.s32 $0x3000;
	[sflag:s11] =	ssyncadd.s32 $0xFFFFF000  }
0x12: {  	[tilespmem:s0], [sflag:$0x3] =	stream.linear.gather [hbm4b:s7+s5], $0x80, $0x38;
	[tilespmem:$0x13080] =	vst v63  }
0x13: {  	_ =	swait.ge [sflag:s11], $0x80  }
0x14: {  	[sflag:s11] =	ssyncset.done $0x0  }
0x15: {  	s25 =	simm.s32 $0x0;
	[sflag:s11] =	ssyncadd.s32 $0xFFFFFF80  }
.LBB2_2:
0x16: {  	s26 =	sshll.u32 s25, $0x1  }
0x17: {  	s0 =	sadd.s32 s8, s26  }
0x18: {  	p0 =	seq.s32 s25, $0x0;
	s28 =	sand.u32 $0x6, s0  }
0x19: {  	p1 =	sne.s32 @!p0 s28, $0x0  }
0x1a: {  	s29 =	sshrl.u32 s0, $0x3;
	p1 =	por p0, !p1  }
0x1b: {  	s0 =	sshll.u32 @p1 s0, $0x6;
	s4 =	sshll.u32 @p1 s29, $0x4  }
0x1c: {  	s0 =	sand.u32 @p1 $0xFFFF000, s0;
	s4 =	sand.u32 @p1 $0x70, s4  }
0x1d: {  	s30 =	simm.s32 @p1 $0x80;
	s0 =	sor.u32 @p1 s0, s4  }
0x1e: {  	s31 =	simm.s32 @p1 $0x400;
	s12 =	simm.s32 @p1 $0x0;
	s4 =	sadd.s32 @p1 s1, s0  }
0x1f: {  	[tilespmem:s12], [sflag:$0x3] =	stream.strided.gather @p1 [hbm4b:s4+s30], $0x1000, s31, s30, $0x38;
	[tilespmem:$0x13080] =	vst v63  }
0x20: {  	s4 =	simm.s32 @p1 $0x3  }
0x21: {  	_ =	swait.ge @p1 [sflag:s4], $0x1000  }
0x22: {  	[sflag:s4] =	ssyncset.done @p1 $0x0  }
0x23: {  	s0 =	sadd.s32 @p1 s2, s0;
	s12 =	simm.s32 @p1 $0x1000;
	[sflag:s4] =	ssyncadd.s32 @p1 $0xFFFFF000  }
0x24: {  	[tilespmem:s12], [sflag:$0x3] =	stream.strided.gather @p1 [hbm4b:s0+s30], $0x1000, s31, s30, $0x38;
	[tilespmem:$0x13080] =	vst v63  }
0x25: {  	_ =	swait.ge @p1 [sflag:s4], $0x1000  }
0x26: {  	p2 =	seq.s32 @p1 s25, $0x0;
	[sflag:s4] =	ssyncset.done @p1 $0x0  }
0x27: {  	p2 =	por !p1, !p2;
	[sflag:s4] =	ssyncadd.s32 @p1 $0xFFFFF000  }
0x28: {  	_ =	swait.ge @p2 [sflag:s22], $0x8000  }
0x29: {  	[sflag:s22] =	ssyncset.done @p2 $0x0  }
0x2a: {  	s12 =	sshll.u32 s28, $0x3;
	[sflag:s22] =	ssyncadd.s32 @p2 $0xFFFF8000  }
0x2b: {  	s0 =	simm.s32 $0x1040;
	v20 =	vld [tilespmem:s12+$0x3000]  }
0x2c: {  	v23 =	vld [tilespmem:s0+$0xFFFFFFD0]  }
0x2d: {  	v24 =	vld [tilespmem:s0+$0xFFFFFFE0]  }
0x2e: {  	v25 =	vld [tilespmem:s0+$0xFFFFFFF0]  }
0x2f: {  	v26 =	vld [tilespmem:s0+$0x0]  }
0x30: {  	v27 =	vld [tilespmem:s0+$0x10]  }
0x31: {  	s4 =	simm.s32 $0x40;
	v28 =	vld [tilespmem:s0+$0x20]  }
0x32: {  	v8 =	vld [tilespmem:s4+$0xFFFFFFC0]  }
0x33: {  	v9 =	vld [tilespmem:s4+$0x30]  }
0x34: {  	v10 =	vld [tilespmem:s4+$0x20]  }
0x35: {  	s12 =	sshll.u32 s28, $0x9;
	v11 =	vld [tilespmem:s4+$0x10]  }
0x36: {  	v12 =	vld [tilespmem:s4+$0x0];
	v22 =	vmov s12  }
0x37: {  	v38 =	vadd.s32 v22, v8;
	v8 =	vld [tilespmem:s4+$0xFFFFFFF0]  }
0x38: {  	v13 =	vld [tilespmem:s4+$0xFFFFFFE0];
	v37 =	vadd.s32 v22, v9  }
0x39: {  	v9 =	vld [tilespmem:s4+$0xFFFFFFD0];
	v36 =	vadd.s32 v22, v10  }
0x3a: {  	v29 =	vld [tilespmem:s0+$0x30];
	v34 =	vadd.s32 v22, v11  }
0x3b: {  	v35 =	vld [tilespmem:s0+$0xFFFFFFC0];
	v32 =	vadd.s32 v22, v12  }
0x3c: {  	v10 =	vld.idx.msk [tilespmem:v38+s10+$0x0], $0xffff;
	v33 =	vadd.s32 v22, v8  }
0x3d: {  	v30 =	vadd.s32 v22, v13;
	v8 =	vld.idx.msk [tilespmem:v37+s10+$0x0], $0xffff  }
0x3e: {  	v21 =	vperm.xlane v20, v0;
	v31 =	vadd.s32 v22, v9;
	v9 =	vld.idx.msk [tilespmem:v36+s10+$0x0], $0xffff  }
0x3f: {  	v11 =	vld.idx.msk [tilespmem:v34+s10+$0x0], $0xffff  }
0x40: {  	v12 =	vmul.f32 v35, v21;
	v13 =	vld.idx.msk [tilespmem:v32+s10+$0x0], $0xffff  }
0x41: {  	v14 =	vmul.f32 v29, v21;
	v15 =	vld.idx.msk [tilespmem:v33+s10+$0x0], $0xffff  }
0x42: {  	v16 =	vmul.f32 v28, v21;
	v10 =	vadd.f32 v12, v10;
	v12 =	vld.idx.msk [tilespmem:v30+s10+$0x0], $0xffff  }
0x43: {  	s30 =	simm.s32 $0x3280;
	s31 =	simm.s32 $0x10C0;
	v18 =	vmul.f32 v27, v21;
	v17 =	vld.idx.msk [tilespmem:v31+s10+$0x0], $0xffff;
	v19 =	vadd.f32 v14, v8  }
0x44: {  	v39 =	vmul.f32 v25, v21;
	v8 =	vld [tilespmem:s31+$0xFFFFFFD0];
	v9 =	vadd.f32 v16, v9;
	[tilespmem:s30+$0xFFFFFE00] =	vst v10;
	v10 =	vmul.f32 v26, v21  }
0x45: {  	v14 =	vperm.xlane v20, v1;
	v11 =	vadd.f32 v18, v11;
	[tilespmem:s30+$0xFFFFFE70] =	vst v19;
	v16 =	vld.idx.msk [tilespmem:v38+s13+$0x0], $0xffff  }
0x46: {  	v18 =	vmul.f32 v24, v21;
	[tilespmem:s30+$0xFFFFFE60] =	vst v9;
	v9 =	vld.idx.msk [tilespmem:v37+s13+$0x0], $0xffff;
	v10 =	vadd.f32 v10, v13  }
0x47: {  	[tilespmem:s30+$0xFFFFFE50] =	vst v11;
	v11 =	vld.idx.msk [tilespmem:v36+s13+$0x0], $0xffff;
	v13 =	vmul.f32 v23, v21;
	v15 =	vadd.f32 v39, v15  }
0x48: {  	v12 =	vadd.f32 v18, v12;
	[tilespmem:s30+$0xFFFFFE40] =	vst v10;
	v10 =	vld.idx.msk [tilespmem:v34+s13+$0x0], $0xffff  }
0x49: {  	v18 =	vmul.f32 v35, v14;
	v13 =	vadd.f32 v13, v17;
	[tilespmem:s30+$0xFFFFFE30] =	vst v15;
	v17 =	vld.idx.msk [tilespmem:v32+s13+$0x0], $0xffff  }
0x4a: {  	[tilespmem:s30+$0xFFFFFE20] =	vst v12;
	v15 =	vmul.f32 v29, v14;
	v12 =	vld.idx.msk [tilespmem:v33+s13+$0x0], $0xffff  }
0x4b: {  	v16 =	vadd.f32 v16, v18;
	[tilespmem:s30+$0xFFFFFE10] =	vst v13;
	v13 =	vld.idx.msk [tilespmem:v30+s13+$0x0], $0xffff;
	v18 =	vmul.f32 v28, v14  }
0x4c: {  	v49 =	vmul.f32 v27, v14;
	v19 =	vld.idx.msk [tilespmem:v31+s13+$0x0], $0xffff;
	v40 =	vadd.f32 v9, v15  }
0x4d: {  	v41 =	vmul.f32 v25, v14;
	v9 =	vld [tilespmem:s31+$0xFFFFFFE0];
	[tilespmem:s30+$0xFFFFFE80] =	vst v16;
	v16 =	vmul.f32 v26, v14;
	v11 =	vadd.f32 v11, v18  }
0x4e: {  	v50 =	vmul.f32 v24, v14;
	v18 =	vld.idx.msk [tilespmem:v38+s14+$0x0], $0xffff;
	v10 =	vadd.f32 v10, v49;
	[tilespmem:s30+$0xFFFFFEF0] =	vst v40  }
0x4f: {  	v15 =	vperm.xlane v20, v2;
	v16 =	vadd.f32 v17, v16;
	[tilespmem:s30+$0xFFFFFEE0] =	vst v11;
	v11 =	vld.idx.msk [tilespmem:v37+s14+$0x0], $0xffff  }
0x50: {  	v17 =	vmul.f32 v23, v14;
	v12 =	vadd.f32 v12, v41;
	[tilespmem:s30+$0xFFFFFED0] =	vst v10;
	v51 =	vld.idx.msk [tilespmem:v36+s14+$0x0], $0xffff  }
0x51: {  	v10 =	vadd.f32 v13, v50;
	[tilespmem:s30+$0xFFFFFEC0] =	vst v16;
	v13 =	vld.idx.msk [tilespmem:v34+s14+$0x0], $0xffff  }
0x52: {  	v16 =	vmul.f32 v35, v15;
	v17 =	vadd.f32 v19, v17;
	[tilespmem:s30+$0xFFFFFEB0] =	vst v12;
	v12 =	vld.idx.msk [tilespmem:v32+s14+$0x0], $0xffff  }
0x53: {  	[tilespmem:s30+$0xFFFFFEA0] =	vst v10;
	v10 =	vmul.f32 v29, v15;
	v19 =	vld.idx.msk [tilespmem:v33+s14+$0x0], $0xffff  }
0x54: {  	v52 =	vmul.f32 v28, v15;
	v18 =	vadd.f32 v18, v16;
	[tilespmem:s30+$0xFFFFFE90] =	vst v17;
	v17 =	vld.idx.msk [tilespmem:v30+s14+$0x0], $0xffff  }
0x55: {  	v42 =	vmul.f32 v27, v15;
	v53 =	vld.idx.msk [tilespmem:v31+s14+$0x0], $0xffff;
	v11 =	vadd.f32 v11, v10  }
0x56: {  	v43 =	vmul.f32 v25, v15;
	v10 =	vld [tilespmem:s31+$0xFFFFFFF0];
	[tilespmem:s30+$0xFFFFFF00] =	vst v18;
	v18 =	vmul.f32 v26, v15;
	v39 =	vadd.f32 v51, v52  }
0x57: {  	v55 =	vmul.f32 v23, v15;
	v54 =	vld.idx.msk [tilespmem:v38+s15+$0x0], $0xffff;
	v13 =	vadd.f32 v13, v42;
	[tilespmem:s30+$0xFFFFFF70] =	vst v11  }
0x58: {  	v11 =	vmul.f32 v24, v15;
	v12 =	vadd.f32 v12, v18;
	[tilespmem:s30+$0xFFFFFF60] =	vst v39;
	v18 =	vld.idx.msk [tilespmem:v37+s15+$0x0], $0xffff  }
0x59: {  	v16 =	vperm.xlane v20, v3;
	v19 =	vadd.f32 v19, v43;
	[tilespmem:s30+$0xFFFFFF50] =	vst v13;
	v13 =	vld.idx.msk [tilespmem:v36+s15+$0x0], $0xffff  }
0x5a: {  	v11 =	vadd.f32 v17, v11;
	[tilespmem:s30+$0xFFFFFF40] =	vst v12;
	v12 =	vld.idx.msk [tilespmem:v34+s15+$0x0], $0xffff  }
0x5b: {  	v17 =	vmul.f32 v35, v16;
	v39 =	vadd.f32 v53, v55;
	[tilespmem:s30+$0xFFFFFF30] =	vst v19;
	v19 =	vld.idx.msk [tilespmem:v32+s15+$0x0], $0xffff  }
0x5c: {  	[tilespmem:s30+$0xFFFFFF20] =	vst v11;
	v11 =	vmul.f32 v29, v16;
	v56 =	vld.idx.msk [tilespmem:v33+s15+$0x0], $0xffff  }
0x5d: {  	v58 =	vmul.f32 v28, v16;
	v40 =	vadd.f32 v54, v17;
	[tilespmem:s30+$0xFFFFFF10] =	vst v39;
	v57 =	vld.idx.msk [tilespmem:v30+s15+$0x0], $0xffff  }
0x5e: {  	v44 =	vmul.f32 v27, v16;
	v59 =	vld.idx.msk [tilespmem:v31+s15+$0x0], $0xffff;
	v18 =	vadd.f32 v18, v11  }
0x5f: {  	v60 =	vmul.f32 v26, v16;
	v45 =	vmul.f32 v25, v16;
	v11 =	vld [tilespmem:s31+$0x0];
	[tilespmem:s30+$0xFFFFFF80] =	vst v40;
	v13 =	vadd.f32 v13, v58  }
0x60: {  	v62 =	vmul.f32 v23, v16;
	v61 =	vld.idx.msk [tilespmem:v38+s16+$0x0], $0xffff;
	v12 =	vadd.f32 v12, v44;
	[tilespmem:s30+$0xFFFFFFF0] =	vst v18  }
0x61: {  	v18 =	vmul.f32 v24, v16;
	v19 =	vadd.f32 v19, v60;
	[tilespmem:s30+$0xFFFFFFE0] =	vst v13;
	v13 =	vld.idx.msk [tilespmem:v37+s16+$0x0], $0xffff  }
0x62: {  	v17 =	vperm.xlane v20, v4;
	v41 =	vadd.f32 v56, v45;
	[tilespmem:s30+$0xFFFFFFD0] =	vst v12;
	v63 =	vld.idx.msk [tilespmem:v36+s16+$0x0], $0xffff  }
0x63: {  	v12 =	vadd.f32 v57, v18;
	[tilespmem:s30+$0xFFFFFFC0] =	vst v19;
	v19 =	vld.idx.msk [tilespmem:v34+s16+$0x0], $0xffff  }
0x64: {  	v18 =	vmul.f32 v35, v17;
	v47 =	vadd.f32 v59, v62;
	[tilespmem:s30+$0xFFFFFFB0] =	vst v41;
	v48 =	vld.idx.msk [tilespmem:v32+s16+$0x0], $0xffff  }
0x65: {  	[tilespmem:s30+$0xFFFFFFA0] =	vst v12;
	v12 =	vmul.f32 v29, v17;
	v41 =	vld.idx.msk [tilespmem:v33+s16+$0x0], $0xffff  }
0x66: {  	v50 =	vmul.f32 v28, v17;
	v42 =	vadd.f32 v61, v18;
	[tilespmem:s30+$0xFFFFFF90] =	vst v47;
	v49 =	vld.idx.msk [tilespmem:v30+s16+$0x0], $0xffff  }
0x67: {  	v46 =	vmul.f32 v27, v17;
	v51 =	vld.idx.msk [tilespmem:v31+s16+$0x0], $0xffff;
	v13 =	vadd.f32 v13, v12  }
0x68: {  	v52 =	vmul.f32 v26, v17;
	v55 =	vmul.f32 v23, v17;
	v12 =	vld [tilespmem:s31+$0x10];
	[tilespmem:s30+$0x0] =	vst v42;
	v43 =	vadd.f32 v63, v50  }
0x69: {  	v47 =	vmul.f32 v25, v17;
	v53 =	vld.idx.msk [tilespmem:v38+s17+$0x0], $0xffff;
	v19 =	vadd.f32 v19, v46;
	[tilespmem:s30+$0x70] =	vst v13  }
0x6a: {  	v13 =	vmul.f32 v24, v17;
	v40 =	vadd.f32 v48, v52;
	[tilespmem:s30+$0x60] =	vst v43;
	v54 =	vld.idx.msk [tilespmem:v37+s17+$0x0], $0xffff  }
0x6b: {  	v18 =	vperm.xlane v20, v5;
	v41 =	vadd.f32 v41, v47;
	[tilespmem:s30+$0x50] =	vst v19;
	v56 =	vld.idx.msk [tilespmem:v36+s17+$0x0], $0xffff  }
0x6c: {  	v13 =	vadd.f32 v49, v13;
	[tilespmem:s30+$0x40] =	vst v40;
	v57 =	vld.idx.msk [tilespmem:v34+s17+$0x0], $0xffff  }
0x6d: {  	v19 =	vmul.f32 v35, v18;
	v58 =	vadd.f32 v51, v55;
	[tilespmem:s30+$0x30] =	vst v41;
	v59 =	vld.idx.msk [tilespmem:v32+s17+$0x0], $0xffff  }
0x6e: {  	[tilespmem:s30+$0x20] =	vst v13;
	v13 =	vmul.f32 v29, v18;
	v60 =	vld.idx.msk [tilespmem:v33+s17+$0x0], $0xffff  }
0x6f: {  	v62 =	vmul.f32 v28, v18;
	v44 =	vadd.f32 v53, v19;
	[tilespmem:s30+$0x10] =	vst v58;
	v61 =	vld.idx.msk [tilespmem:v30+s17+$0x0], $0xffff  }
0x70: {  	v48 =	vmul.f32 v27, v18;
	v63 =	vld.idx.msk [tilespmem:v31+s17+$0x0], $0xffff;
	v42 =	vadd.f32 v54, v13  }
0x71: {  	v52 =	vmul.f32 v26, v18;
	v49 =	vmul.f32 v25, v18;
	v13 =	vld [tilespmem:s31+$0x20];
	[tilespmem:s30+$0x80] =	vst v44;
	v45 =	vadd.f32 v56, v62  }
0x72: {  	v19 =	vperm.xlane v20, v6;
	v53 =	vld.idx.msk [tilespmem:v38+s18+$0x0], $0xffff;
	v39 =	vadd.f32 v57, v48;
	[tilespmem:s30+$0xF0] =	vst v42  }
0x73: {  	v54 =	vmul.f32 v24, v18;
	v41 =	vadd.f32 v59, v52;
	[tilespmem:s30+$0xE0] =	vst v45;
	v55 =	vld.idx.msk [tilespmem:v37+s18+$0x0], $0xffff  }
0x74: {  	v56 =	vmul.f32 v23, v18;
	v43 =	vadd.f32 v60, v49;
	[tilespmem:s30+$0xD0] =	vst v39;
	v57 =	vld.idx.msk [tilespmem:v36+s18+$0x0], $0xffff  }
0x75: {  	v40 =	vadd.f32 v61, v54;
	[tilespmem:s30+$0xC0] =	vst v41;
	v58 =	vld.idx.msk [tilespmem:v34+s18+$0x0], $0xffff  }
0x76: {  	v59 =	vmul.f32 v35, v19;
	v45 =	vadd.f32 v63, v56;
	[tilespmem:s30+$0xB0] =	vst v43;
	v60 =	vld.idx.msk [tilespmem:v32+s18+$0x0], $0xffff  }
0x77: {  	v62 =	vmul.f32 v29, v19;
	[tilespmem:s30+$0xA0] =	vst v40;
	v61 =	vld.idx.msk [tilespmem:v33+s18+$0x0], $0xffff  }
0x78: {  	v52 =	vmul.f32 v28, v19;
	v42 =	vadd.f32 v53, v59;
	[tilespmem:s30+$0x90] =	vst v45;
	v63 =	vld.idx.msk [tilespmem:v30+s18+$0x0], $0xffff  }
0x79: {  	s0 =	simm.s32 $0xC0;
	v53 =	vld.idx.msk [tilespmem:v31+s18+$0x0], $0xffff;
	v44 =	vadd.f32 v55, v62  }
0x7a: {  	v54 =	vmul.f32 v27, v19;
	v55 =	vld [tilespmem:s0+$0xFFFFFFC0];
	[tilespmem:s30+$0x100] =	vst v42;
	v39 =	vadd.f32 v57, v52  }
0x7b: {  	v56 =	vmul.f32 v26, v19;
	v38 =	vld.idx.msk [tilespmem:v38+s19+$0x0], $0xffff;
	[tilespmem:s30+$0x170] =	vst v44  }
0x7c: {  	v57 =	vmul.f32 v25, v19;
	v41 =	vadd.f32 v58, v54;
	[tilespmem:s30+$0x160] =	vst v39;
	v37 =	vld.idx.msk [tilespmem:v37+s19+$0x0], $0xffff  }
0x7d: {  	v20 =	vperm.xlane v20, v7;
	v58 =	vmul.f32 v24, v19;
	v42 =	vadd.f32 v60, v56;
	v36 =	vld.idx.msk [tilespmem:v36+s19+$0x0], $0xffff  }
0x7e: {  	v59 =	vmul.f32 v23, v19;
	v40 =	vadd.f32 v61, v57;
	[tilespmem:s30+$0x150] =	vst v41;
	v61 =	vld [tilespmem:s0+$0x30]  }
0x7f: {  	v35 =	vmul.f32 v35, v20;
	v60 =	vadd.f32 v63, v58;
	[tilespmem:s30+$0x140] =	vst v42;
	v34 =	vld.idx.msk [tilespmem:v34+s19+$0x0], $0xffff  }
0x80: {  	v29 =	vmul.f32 v29, v20;
	v39 =	vadd.f32 v53, v59;
	[tilespmem:s30+$0x130] =	vst v40;
	v32 =	vld.idx.msk [tilespmem:v32+s19+$0x0], $0xffff  }
0x81: {  	v28 =	vmul.f32 v28, v20;
	[tilespmem:s30+$0x120] =	vst v60;
	v33 =	vld.idx.msk [tilespmem:v33+s19+$0x0], $0xffff;
	v35 =	vadd.f32 v38, v35  }
0x82: {  	v27 =	vmul.f32 v27, v20;
	[tilespmem:s30+$0x110] =	vst v39;
	v30 =	vld.idx.msk [tilespmem:v30+s19+$0x0], $0xffff;
	v29 =	vadd.f32 v37, v29  }
0x83: {  	v26 =	vmul.f32 v26, v20;
	v31 =	vld.idx.msk [tilespmem:v31+s19+$0x0], $0xffff;
	[tilespmem:s30+$0x180] =	vst v35;
	v28 =	vadd.f32 v36, v28  }
0x84: {  	v62 =	vld [tilespmem:s0+$0x20];
	v25 =	vmul.f32 v25, v20;
	v34 =	vadd.f32 v34, v27;
	[tilespmem:s30+$0x1F0] =	vst v29  }
0x85: {  	v24 =	vmul.f32 v24, v20;
	v27 =	vld [tilespmem:s0+$0x10];
	v29 =	vadd.f32 v32, v26;
	[tilespmem:s30+$0x1E0] =	vst v28  }
0x86: {  	v23 =	vmul.f32 v23, v20;
	v28 =	vld [tilespmem:s0+$0x0];
	v63 =	vadd.f32 v33, v25;
	[tilespmem:s30+$0x1D0] =	vst v34  }
0x87: {  	v26 =	vld [tilespmem:s0+$0xFFFFFFF0];
	v30 =	vadd.f32 v30, v24;
	v25 =	vadd.s32 v22, v55;
	[tilespmem:s30+$0x1C0] =	vst v29  }
0x88: {  	v34 =	vld [tilespmem:s0+$0xFFFFFFE0];
	v24 =	vadd.s32 v22, v61;
	v32 =	vadd.f32 v31, v23;
	[tilespmem:s30+$0x1B0] =	vst v63  }
0x89: {  	s4 =	simm.s32 $0x80;
	v35 =	vld [tilespmem:s0+$0xFFFFFFD0];
	v23 =	vadd.s32 v22, v62;
	[tilespmem:s30+$0x1A0] =	vst v30  }
.LBB2_3:
0x8a: {  	s4 =	sadd.s32 $0x80, s4;
	v30 =	vadd.s32 v22, v27;
	v27 =	vld [tilespmem:s31+$0x30];
	[tilespmem:s30+$0x190] =	vst v32;
	s30 =	sadd.s32 $0x400, s30  }
0x8b: {  	p1 =	slt.u32 s4, $0xF80;
	v33 =	vld [tilespmem:s31+$0xFFFFFFC0];
	v32 =	vadd.s32 v22, v28  }
0x8c: {  	v36 =	vld.idx.msk [tilespmem:v25+s10+$0x0], $0xffff;
	v31 =	vadd.s32 v22, v26  }
0x8d: {  	v29 =	vadd.s32 v22, v34;
	v26 =	vld.idx.msk [tilespmem:v24+s10+$0x0], $0xffff  }
0x8e: {  	v28 =	vadd.s32 v22, v35;
	v34 =	vld.idx.msk [tilespmem:v23+s10+$0x0], $0xffff  }
0x8f: {  	v35 =	vld.idx.msk [tilespmem:v30+s10+$0x0], $0xffff  }
0x90: {  	v37 =	vmul.f32 v33, v21;
	v38 =	vld.idx.msk [tilespmem:v32+s10+$0x0], $0xffff  }
0x91: {  	v40 =	vmul.f32 v27, v21;
	v39 =	vld.idx.msk [tilespmem:v31+s10+$0x0], $0xffff  }
0x92: {  	v41 =	vmul.f32 v13, v21;
	v36 =	vadd.f32 v37, v36;
	v37 =	vld.idx.msk [tilespmem:v29+s10+$0x0], $0xffff  }
0x93: {  	v43 =	vmul.f32 v12, v21;
	s31 =	sadd.s32 $0x80, s31;
	v40 =	vadd.f32 v40, v26;
	v42 =	vld.idx.msk [tilespmem:v28+s10+$0x0], $0xffff  }
0x94: {  	v34 =	vadd.f32 v41, v34;
	v26 =	vld [tilespmem:s31+$0xFFFFFFD0];
	[tilespmem:s30+$0xFFFFFE00] =	vst v36;
	v36 =	vmul.f32 v11, v21  }
0x95: {  	v44 =	vmul.f32 v10, v21;
	v35 =	vadd.f32 v43, v35;
	v41 =	vld.idx.msk [tilespmem:v25+s13+$0x0], $0xffff;
	[tilespmem:s30+$0xFFFFFE70] =	vst v40  }
0x96: {  	v40 =	vmul.f32 v9, v21;
	v36 =	vadd.f32 v36, v38;
	[tilespmem:s30+$0xFFFFFE60] =	vst v34;
	v34 =	vld.idx.msk [tilespmem:v24+s13+$0x0], $0xffff  }
0x97: {  	v38 =	vmul.f32 v8, v21;
	v39 =	vadd.f32 v44, v39;
	[tilespmem:s30+$0xFFFFFE50] =	vst v35;
	v35 =	vld.idx.msk [tilespmem:v23+s13+$0x0], $0xffff  }
0x98: {  	v37 =	vadd.f32 v40, v37;
	[tilespmem:s30+$0xFFFFFE40] =	vst v36;
	v36 =	vld.idx.msk [tilespmem:v30+s13+$0x0], $0xffff  }
0x99: {  	v40 =	vmul.f32 v33, v14;
	v38 =	vadd.f32 v38, v42;
	[tilespmem:s30+$0xFFFFFE30] =	vst v39;
	v39 =	vld.idx.msk [tilespmem:v32+s13+$0x0], $0xffff  }
0x9a: {  	v42 =	vmul.f32 v27, v14;
	[tilespmem:s30+$0xFFFFFE20] =	vst v37;
	v37 =	vld.idx.msk [tilespmem:v31+s13+$0x0], $0xffff  }
0x9b: {  	v40 =	vadd.f32 v41, v40;
	v41 =	vmul.f32 v13, v14;
	[tilespmem:s30+$0xFFFFFE10] =	vst v38;
	v38 =	vld.idx.msk [tilespmem:v29+s13+$0x0], $0xffff  }
0x9c: {  	v44 =	vmul.f32 v12, v14;
	v42 =	vadd.f32 v34, v42;
	v43 =	vld.idx.msk [tilespmem:v28+s13+$0x0], $0xffff  }
0x9d: {  	v35 =	vadd.f32 v35, v41;
	v34 =	vld [tilespmem:s31+$0xFFFFFFE0];
	[tilespmem:s30+$0xFFFFFE80] =	vst v40;
	v40 =	vmul.f32 v11, v14  }
0x9e: {  	v45 =	vmul.f32 v10, v14;
	v36 =	vadd.f32 v36, v44;
	v41 =	vld.idx.msk [tilespmem:v25+s14+$0x0], $0xffff;
	[tilespmem:s30+$0xFFFFFEF0] =	vst v42  }
0x9f: {  	v42 =	vmul.f32 v9, v14;
	v39 =	vadd.f32 v39, v40;
	[tilespmem:s30+$0xFFFFFEE0] =	vst v35;
	v35 =	vld.idx.msk [tilespmem:v24+s14+$0x0], $0xffff  }
0xa0: {  	v40 =	vmul.f32 v8, v14;
	v37 =	vadd.f32 v37, v45;
	[tilespmem:s30+$0xFFFFFED0] =	vst v36;
	v36 =	vld.idx.msk [tilespmem:v23+s14+$0x0], $0xffff  }
0xa1: {  	v38 =	vadd.f32 v38, v42;
	[tilespmem:s30+$0xFFFFFEC0] =	vst v39;
	v39 =	vld.idx.msk [tilespmem:v30+s14+$0x0], $0xffff  }
0xa2: {  	v42 =	vmul.f32 v33, v15;
	v40 =	vadd.f32 v43, v40;
	[tilespmem:s30+$0xFFFFFEB0] =	vst v37;
	v37 =	vld.idx.msk [tilespmem:v32+s14+$0x0], $0xffff  }
0xa3: {  	v43 =	vmul.f32 v27, v15;
	[tilespmem:s30+$0xFFFFFEA0] =	vst v38;
	v38 =	vld.idx.msk [tilespmem:v31+s14+$0x0], $0xffff  }
0xa4: {  	v41 =	vadd.f32 v41, v42;
	v42 =	vmul.f32 v13, v15;
	[tilespmem:s30+$0xFFFFFE90] =	vst v40;
	v40 =	vld.idx.msk [tilespmem:v29+s14+$0x0], $0xffff  }
0xa5: {  	v45 =	vmul.f32 v12, v15;
	v43 =	vadd.f32 v35, v43;
	v44 =	vld.idx.msk [tilespmem:v28+s14+$0x0], $0xffff  }
0xa6: {  	v36 =	vadd.f32 v36, v42;
	v35 =	vld [tilespmem:s31+$0xFFFFFFF0];
	[tilespmem:s30+$0xFFFFFF00] =	vst v41;
	v41 =	vmul.f32 v11, v15  }
0xa7: {  	v46 =	vmul.f32 v10, v15;
	v39 =	vadd.f32 v39, v45;
	v42 =	vld.idx.msk [tilespmem:v25+s15+$0x0], $0xffff;
	[tilespmem:s30+$0xFFFFFF70] =	vst v43  }
0xa8: {  	v43 =	vmul.f32 v9, v15;
	v37 =	vadd.f32 v37, v41;
	[tilespmem:s30+$0xFFFFFF60] =	vst v36;
	v36 =	vld.idx.msk [tilespmem:v24+s15+$0x0], $0xffff  }
0xa9: {  	v41 =	vmul.f32 v8, v15;
	v38 =	vadd.f32 v38, v46;
	[tilespmem:s30+$0xFFFFFF50] =	vst v39;
	v39 =	vld.idx.msk [tilespmem:v23+s15+$0x0], $0xffff  }
0xaa: {  	v40 =	vadd.f32 v40, v43;
	[tilespmem:s30+$0xFFFFFF40] =	vst v37;
	v37 =	vld.idx.msk [tilespmem:v30+s15+$0x0], $0xffff  }
0xab: {  	v43 =	vmul.f32 v33, v16;
	v41 =	vadd.f32 v44, v41;
	[tilespmem:s30+$0xFFFFFF30] =	vst v38;
	v38 =	vld.idx.msk [tilespmem:v32+s15+$0x0], $0xffff  }
0xac: {  	v44 =	vmul.f32 v27, v16;
	[tilespmem:s30+$0xFFFFFF20] =	vst v40;
	v40 =	vld.idx.msk [tilespmem:v31+s15+$0x0], $0xffff  }
0xad: {  	v42 =	vadd.f32 v42, v43;
	v43 =	vmul.f32 v13, v16;
	[tilespmem:s30+$0xFFFFFF10] =	vst v41;
	v41 =	vld.idx.msk [tilespmem:v29+s15+$0x0], $0xffff  }
0xae: {  	v46 =	vmul.f32 v12, v16;
	v44 =	vadd.f32 v36, v44;
	v45 =	vld.idx.msk [tilespmem:v28+s15+$0x0], $0xffff  }
0xaf: {  	v39 =	vadd.f32 v39, v43;
	v36 =	vld [tilespmem:s31+$0x0];
	[tilespmem:s30+$0xFFFFFF80] =	vst v42;
	v42 =	vmul.f32 v11, v16  }
0xb0: {  	v47 =	vmul.f32 v10, v16;
	v37 =	vadd.f32 v37, v46;
	v43 =	vld.idx.msk [tilespmem:v25+s16+$0x0], $0xffff;
	[tilespmem:s30+$0xFFFFFFF0] =	vst v44  }
0xb1: {  	v44 =	vmul.f32 v9, v16;
	v38 =	vadd.f32 v38, v42;
	[tilespmem:s30+$0xFFFFFFE0] =	vst v39;
	v39 =	vld.idx.msk [tilespmem:v24+s16+$0x0], $0xffff  }
0xb2: {  	v42 =	vmul.f32 v8, v16;
	v40 =	vadd.f32 v40, v47;
	[tilespmem:s30+$0xFFFFFFD0] =	vst v37;
	v37 =	vld.idx.msk [tilespmem:v23+s16+$0x0], $0xffff  }
0xb3: {  	v41 =	vadd.f32 v41, v44;
	[tilespmem:s30+$0xFFFFFFC0] =	vst v38;
	v38 =	vld.idx.msk [tilespmem:v30+s16+$0x0], $0xffff  }
0xb4: {  	v44 =	vmul.f32 v33, v17;
	v42 =	vadd.f32 v45, v42;
	[tilespmem:s30+$0xFFFFFFB0] =	vst v40;
	v40 =	vld.idx.msk [tilespmem:v32+s16+$0x0], $0xffff  }
0xb5: {  	v45 =	vmul.f32 v27, v17;
	[tilespmem:s30+$0xFFFFFFA0] =	vst v41;
	v41 =	vld.idx.msk [tilespmem:v31+s16+$0x0], $0xffff  }
0xb6: {  	v43 =	vadd.f32 v43, v44;
	v44 =	vmul.f32 v13, v17;
	[tilespmem:s30+$0xFFFFFF90] =	vst v42;
	v42 =	vld.idx.msk [tilespmem:v29+s16+$0x0], $0xffff  }
0xb7: {  	v47 =	vmul.f32 v12, v17;
	v39 =	vadd.f32 v39, v45;
	v46 =	vld.idx.msk [tilespmem:v28+s16+$0x0], $0xffff  }
0xb8: {  	v37 =	vadd.f32 v37, v44;
	v45 =	vld [tilespmem:s31+$0x10];
	[tilespmem:s30+$0x0] =	vst v43;
	v43 =	vmul.f32 v11, v17  }
0xb9: {  	v48 =	vmul.f32 v10, v17;
	v38 =	vadd.f32 v38, v47;
	v44 =	vld.idx.msk [tilespmem:v25+s17+$0x0], $0xffff;
	[tilespmem:s30+$0x70] =	vst v39  }
0xba: {  	v39 =	vmul.f32 v9, v17;
	v40 =	vadd.f32 v40, v43;
	[tilespmem:s30+$0x60] =	vst v37;
	v37 =	vld.idx.msk [tilespmem:v24+s17+$0x0], $0xffff  }
0xbb: {  	v43 =	vmul.f32 v8, v17;
	v41 =	vadd.f32 v41, v48;
	[tilespmem:s30+$0x50] =	vst v38;
	v38 =	vld.idx.msk [tilespmem:v23+s17+$0x0], $0xffff  }
0xbc: {  	v39 =	vadd.f32 v42, v39;
	[tilespmem:s30+$0x40] =	vst v40;
	v40 =	vld.idx.msk [tilespmem:v30+s17+$0x0], $0xffff  }
0xbd: {  	v42 =	vmul.f32 v33, v18;
	v43 =	vadd.f32 v46, v43;
	[tilespmem:s30+$0x30] =	vst v41;
	v41 =	vld.idx.msk [tilespmem:v32+s17+$0x0], $0xffff  }
0xbe: {  	v46 =	vmul.f32 v27, v18;
	[tilespmem:s30+$0x20] =	vst v39;
	v39 =	vld.idx.msk [tilespmem:v31+s17+$0x0], $0xffff  }
0xbf: {  	v42 =	vadd.f32 v44, v42;
	v44 =	vmul.f32 v13, v18;
	[tilespmem:s30+$0x10] =	vst v43;
	v43 =	vld.idx.msk [tilespmem:v29+s17+$0x0], $0xffff  }
0xc0: {  	v48 =	vmul.f32 v12, v18;
	v37 =	vadd.f32 v37, v46;
	v47 =	vld.idx.msk [tilespmem:v28+s17+$0x0], $0xffff  }
0xc1: {  	v38 =	vadd.f32 v38, v44;
	v46 =	vld [tilespmem:s31+$0x20];
	[tilespmem:s30+$0x80] =	vst v42;
	v42 =	vmul.f32 v11, v18  }
0xc2: {  	v49 =	vmul.f32 v10, v18;
	v40 =	vadd.f32 v40, v48;
	v44 =	vld.idx.msk [tilespmem:v25+s18+$0x0], $0xffff;
	[tilespmem:s30+$0xF0] =	vst v37  }
0xc3: {  	v37 =	vmul.f32 v9, v18;
	v41 =	vadd.f32 v41, v42;
	[tilespmem:s30+$0xE0] =	vst v38;
	v38 =	vld.idx.msk [tilespmem:v24+s18+$0x0], $0xffff  }
0xc4: {  	v42 =	vmul.f32 v8, v18;
	v39 =	vadd.f32 v39, v49;
	[tilespmem:s30+$0xD0] =	vst v40;
	v40 =	vld.idx.msk [tilespmem:v23+s18+$0x0], $0xffff  }
0xc5: {  	v37 =	vadd.f32 v43, v37;
	[tilespmem:s30+$0xC0] =	vst v41;
	v41 =	vld.idx.msk [tilespmem:v30+s18+$0x0], $0xffff  }
0xc6: {  	v43 =	vmul.f32 v33, v19;
	v42 =	vadd.f32 v47, v42;
	[tilespmem:s30+$0xB0] =	vst v39;
	v39 =	vld.idx.msk [tilespmem:v32+s18+$0x0], $0xffff  }
0xc7: {  	v47 =	vmul.f32 v27, v19;
	[tilespmem:s30+$0xA0] =	vst v37;
	v37 =	vld.idx.msk [tilespmem:v31+s18+$0x0], $0xffff  }
0xc8: {  	v43 =	vadd.f32 v44, v43;
	v44 =	vmul.f32 v13, v19;
	[tilespmem:s30+$0x90] =	vst v42;
	v42 =	vld.idx.msk [tilespmem:v29+s18+$0x0], $0xffff  }
0xc9: {  	s0 =	sadd.s32 $0x80, s0;
	v49 =	vmul.f32 v12, v19;
	v38 =	vadd.f32 v38, v47;
	v48 =	vld.idx.msk [tilespmem:v28+s18+$0x0], $0xffff  }
0xca: {  	v40 =	vadd.f32 v40, v44;
	v47 =	vld [tilespmem:s0+$0xFFFFFFC0];
	[tilespmem:s30+$0x100] =	vst v43;
	v43 =	vmul.f32 v11, v19  }
0xcb: {  	v44 =	vmul.f32 v10, v19;
	v41 =	vadd.f32 v41, v49;
	v25 =	vld.idx.msk [tilespmem:v25+s19+$0x0], $0xffff;
	[tilespmem:s30+$0x170] =	vst v38  }
0xcc: {  	v38 =	vmul.f32 v9, v19;
	v39 =	vadd.f32 v39, v43;
	[tilespmem:s30+$0x160] =	vst v40;
	v24 =	vld.idx.msk [tilespmem:v24+s19+$0x0], $0xffff  }
0xcd: {  	v40 =	vmul.f32 v8, v19;
	v37 =	vadd.f32 v37, v44;
	[tilespmem:s30+$0x150] =	vst v41;
	v23 =	vld.idx.msk [tilespmem:v23+s19+$0x0], $0xffff  }
0xce: {  	v38 =	vadd.f32 v42, v38;
	[tilespmem:s30+$0x140] =	vst v39;
	v30 =	vld.idx.msk [tilespmem:v30+s19+$0x0], $0xffff  }
0xcf: {  	v33 =	vmul.f32 v33, v20;
	v39 =	vadd.f32 v48, v40;
	[tilespmem:s30+$0x130] =	vst v37;
	v32 =	vld.idx.msk [tilespmem:v32+s19+$0x0], $0xffff  }
0xd0: {  	v27 =	vmul.f32 v27, v20;
	[tilespmem:s30+$0x120] =	vst v38;
	v31 =	vld.idx.msk [tilespmem:v31+s19+$0x0], $0xffff  }
0xd1: {  	v25 =	vadd.f32 v25, v33;
	v33 =	vmul.f32 v13, v20;
	v13 =	vmov v46;
	[tilespmem:s30+$0x110] =	vst v39;
	v29 =	vld.idx.msk [tilespmem:v29+s19+$0x0], $0xffff  }
0xd2: {  	v24 =	vadd.f32 v24, v27;
	v37 =	vld.idx.msk [tilespmem:v28+s19+$0x0], $0xffff;
	v28 =	vmul.f32 v12, v20;
	v12 =	vmov v45  }
0xd3: {  	v23 =	vadd.f32 v23, v33;
	v38 =	vld [tilespmem:s0+$0x30];
	[tilespmem:s30+$0x180] =	vst v25;
	v25 =	vmul.f32 v11, v20;
	v11 =	vmov v36  }
0xd4: {  	v36 =	vmul.f32 v10, v20;
	v10 =	vmov v35;
	v33 =	vld [tilespmem:s0+$0x20];
	v30 =	vadd.f32 v30, v28;
	[tilespmem:s30+$0x1F0] =	vst v24  }
.Ltmp0:
0xd5: {  	v24 =	vmul.f32 v9, v20;
	v9 =	vmov v34;
	v27 =	vld [tilespmem:s0+$0x10];
	v32 =	vadd.f32 v32, v25;
	[tilespmem:s30+$0x1E0] =	vst v23;
	(pc) =	sbr.rel @p1 .LBB2_3-.Ltmp0, $4  }
0xd6: {  	v23 =	vmul.f32 v8, v20;
	v31 =	vadd.f32 v31, v36;
	v8 =	vmov v26;
	v28 =	vld [tilespmem:s0+$0x0];
	[tilespmem:s30+$0x1D0] =	vst v30  }
0xd7: {  	v25 =	vadd.s32 v22, v47;
	v29 =	vadd.f32 v29, v24;
	v26 =	vld [tilespmem:s0+$0xFFFFFFF0];
	[tilespmem:s30+$0x1C0] =	vst v32  }
0xd8: {  	v32 =	vadd.f32 v37, v23;
	v34 =	vld [tilespmem:s0+$0xFFFFFFE0];
	v24 =	vadd.s32 v22, v38;
	[tilespmem:s30+$0x1B0] =	vst v31  }
0xd9: {  	v35 =	vld [tilespmem:s0+$0xFFFFFFD0];
	v23 =	vadd.s32 v22, v33;
	[tilespmem:s30+$0x1A0] =	vst v29  }
0xda: {  	_ =	sdelay $0x1  }
0xdb: {  	v30 =	vadd.s32 v22, v27;
	v31 =	vld [tilespmem:s31+$0xFFFFFFC0]  }
0xdc: {  	v27 =	vld [tilespmem:s31+$0x30];
	v29 =	vadd.s32 v22, v28  }
0xdd: {  	v33 =	vld.idx.msk [tilespmem:v25+s10+$0x0], $0xffff;
	v28 =	vadd.s32 v22, v26  }
0xde: {  	v57 =	vld.idx.msk [tilespmem:v24+s10+$0x0], $0xffff;
	v26 =	vadd.s32 v22, v34  }
0xdf: {  	v58 =	vld.idx.msk [tilespmem:v23+s10+$0x0], $0xffff;
	v22 =	vadd.s32 v22, v35  }
0xe0: {  	v36 =	vld.idx.msk [tilespmem:v30+s10+$0x0], $0xffff;
	v37 =	vmul.f32 v31, v21  }
0xe1: {  	v39 =	vmul.f32 v27, v21;
	v38 =	vld.idx.msk [tilespmem:v29+s10+$0x0], $0xffff  }
0xe2: {  	v59 =	vmul.f32 v13, v21;
	v40 =	vld.idx.msk [tilespmem:v28+s10+$0x0], $0xffff;
	v33 =	vadd.f32 v37, v33  }
0xe3: {  	[tilespmem:s30+$0x190] =	vst v32;
	s0 =	sadd.s32 $0x400, s30;
	v41 =	vmul.f32 v12, v21;
	v34 =	vadd.f32 v39, v57;
	v60 =	vld.idx.msk [tilespmem:v26+s10+$0x0], $0xffff  }
0xe4: {  	v62 =	vmul.f32 v11, v21;
	v35 =	vadd.f32 v59, v58;
	v61 =	vld.idx.msk [tilespmem:v22+s10+$0x0], $0xffff;
	[tilespmem:s0+$0xFFFFFE00] =	vst v33  }
0xe5: {  	v42 =	vmul.f32 v10, v21;
	[tilespmem:s0+$0xFFFFFE70] =	vst v34;
	v63 =	vld.idx.msk [tilespmem:v25+s13+$0x0], $0xffff;
	v36 =	vadd.f32 v41, v36  }
0xe6: {  	v45 =	vmul.f32 v9, v21;
	[tilespmem:s0+$0xFFFFFE60] =	vst v35;
	v46 =	vld.idx.msk [tilespmem:v24+s13+$0x0], $0xffff;
	v33 =	vadd.f32 v62, v38  }
0xe7: {  	v21 =	vmul.f32 v8, v21;
	v48 =	vld.idx.msk [tilespmem:v23+s13+$0x0], $0xffff;
	v47 =	vadd.f32 v42, v40;
	[tilespmem:s0+$0xFFFFFE50] =	vst v36  }
0xe8: {  	v50 =	vmul.f32 v31, v14;
	v32 =	vadd.f32 v45, v60;
	[tilespmem:s0+$0xFFFFFE40] =	vst v33;
	v49 =	vld.idx.msk [tilespmem:v30+s13+$0x0], $0xffff  }
0xe9: {  	v52 =	vmul.f32 v27, v14;
	v21 =	vadd.f32 v21, v61;
	[tilespmem:s0+$0xFFFFFE30] =	vst v47;
	v51 =	vld.idx.msk [tilespmem:v29+s13+$0x0], $0xffff  }
0xea: {  	v54 =	vmul.f32 v13, v14;
	[tilespmem:s0+$0xFFFFFE20] =	vst v32;
	v53 =	vld.idx.msk [tilespmem:v28+s13+$0x0], $0xffff;
	v34 =	vadd.f32 v63, v50  }
0xeb: {  	v55 =	vmul.f32 v12, v14;
	v35 =	vadd.f32 v46, v52;
	[tilespmem:s0+$0xFFFFFE10] =	vst v21;
	v21 =	vld.idx.msk [tilespmem:v26+s13+$0x0], $0xffff  }
0xec: {  	v57 =	vmul.f32 v11, v14;
	v36 =	vadd.f32 v48, v54;
	v56 =	vld.idx.msk [tilespmem:v22+s13+$0x0], $0xffff;
	[tilespmem:s0+$0xFFFFFE80] =	vst v34  }
0xed: {  	v59 =	vmul.f32 v10, v14;
	[tilespmem:s0+$0xFFFFFEF0] =	vst v35;
	v58 =	vld.idx.msk [tilespmem:v25+s14+$0x0], $0xffff;
	v33 =	vadd.f32 v49, v55  }
0xee: {  	v60 =	vmul.f32 v9, v14;
	[tilespmem:s0+$0xFFFFFEE0] =	vst v36;
	v61 =	vld.idx.msk [tilespmem:v24+s14+$0x0], $0xffff;
	v34 =	vadd.f32 v51, v57  }
0xef: {  	v14 =	vmul.f32 v8, v14;
	v62 =	vld.idx.msk [tilespmem:v23+s14+$0x0], $0xffff;
	v32 =	vadd.f32 v53, v59;
	[tilespmem:s0+$0xFFFFFED0] =	vst v33  }
0xf0: {  	v44 =	vmul.f32 v31, v15;
	v21 =	vadd.f32 v21, v60;
	[tilespmem:s0+$0xFFFFFEC0] =	vst v34;
	v63 =	vld.idx.msk [tilespmem:v30+s14+$0x0], $0xffff  }
0xf1: {  	v46 =	vmul.f32 v27, v15;
	v14 =	vadd.f32 v56, v14;
	[tilespmem:s0+$0xFFFFFEB0] =	vst v32;
	v45 =	vld.idx.msk [tilespmem:v29+s14+$0x0], $0xffff  }
0xf2: {  	v47 =	vmul.f32 v13, v15;
	[tilespmem:s0+$0xFFFFFEA0] =	vst v21;
	v21 =	vld.idx.msk [tilespmem:v28+s14+$0x0], $0xffff;
	v35 =	vadd.f32 v58, v44  }
0xf3: {  	v48 =	vmul.f32 v12, v15;
	v36 =	vadd.f32 v61, v46;
	[tilespmem:s0+$0xFFFFFE90] =	vst v14;
	v14 =	vld.idx.msk [tilespmem:v26+s14+$0x0], $0xffff  }
0xf4: {  	v50 =	vmul.f32 v11, v15;
	v33 =	vadd.f32 v62, v47;
	v49 =	vld.idx.msk [tilespmem:v22+s14+$0x0], $0xffff;
	[tilespmem:s0+$0xFFFFFF00] =	vst v35  }
0xf5: {  	v52 =	vmul.f32 v10, v15;
	[tilespmem:s0+$0xFFFFFF70] =	vst v36;
	v51 =	vld.idx.msk [tilespmem:v25+s15+$0x0], $0xffff;
	v34 =	vadd.f32 v63, v48  }
0xf6: {  	v53 =	vmul.f32 v9, v15;
	[tilespmem:s0+$0xFFFFFF60] =	vst v33;
	v54 =	vld.idx.msk [tilespmem:v24+s15+$0x0], $0xffff;
	v32 =	vadd.f32 v45, v50  }
0xf7: {  	v15 =	vmul.f32 v8, v15;
	v55 =	vld.idx.msk [tilespmem:v23+s15+$0x0], $0xffff;
	v21 =	vadd.f32 v21, v52;
	[tilespmem:s0+$0xFFFFFF50] =	vst v34  }
0xf8: {  	v57 =	vmul.f32 v31, v16;
	v14 =	vadd.f32 v14, v53;
	[tilespmem:s0+$0xFFFFFF40] =	vst v32;
	v56 =	vld.idx.msk [tilespmem:v30+s15+$0x0], $0xffff  }
0xf9: {  	v58 =	vmul.f32 v27, v16;
	v15 =	vadd.f32 v49, v15;
	[tilespmem:s0+$0xFFFFFF30] =	vst v21;
	v21 =	vld.idx.msk [tilespmem:v29+s15+$0x0], $0xffff  }
0xfa: {  	v59 =	vmul.f32 v13, v16;
	[tilespmem:s0+$0xFFFFFF20] =	vst v14;
	v14 =	vld.idx.msk [tilespmem:v28+s15+$0x0], $0xffff;
	v35 =	vadd.f32 v51, v57  }
0xfb: {  	v60 =	vmul.f32 v12, v16;
	v33 =	vadd.f32 v54, v58;
	[tilespmem:s0+$0xFFFFFF10] =	vst v15;
	v15 =	vld.idx.msk [tilespmem:v26+s15+$0x0], $0xffff  }
0xfc: {  	v62 =	vmul.f32 v11, v16;
	v34 =	vadd.f32 v55, v59;
	v61 =	vld.idx.msk [tilespmem:v22+s15+$0x0], $0xffff;
	[tilespmem:s0+$0xFFFFFF80] =	vst v35  }
0xfd: {  	v42 =	vmul.f32 v10, v16;
	[tilespmem:s0+$0xFFFFFFF0] =	vst v33;
	v63 =	vld.idx.msk [tilespmem:v25+s16+$0x0], $0xffff;
	v32 =	vadd.f32 v56, v60  }
0xfe: {  	v43 =	vmul.f32 v9, v16;
	[tilespmem:s0+$0xFFFFFFE0] =	vst v34;
	v44 =	vld.idx.msk [tilespmem:v24+s16+$0x0], $0xffff;
	v21 =	vadd.f32 v21, v62  }
0xff: {  	v16 =	vmul.f32 v8, v16;
	v45 =	vld.idx.msk [tilespmem:v23+s16+$0x0], $0xffff;
	v14 =	vadd.f32 v14, v42;
	[tilespmem:s0+$0xFFFFFFD0] =	vst v32  }
0x100: {  	v46 =	vmul.f32 v31, v17;
	v15 =	vadd.f32 v15, v43;
	[tilespmem:s0+$0xFFFFFFC0] =	vst v21;
	v21 =	vld.idx.msk [tilespmem:v30+s16+$0x0], $0xffff  }
0x101: {  	v47 =	vmul.f32 v27, v17;
	v16 =	vadd.f32 v61, v16;
	[tilespmem:s0+$0xFFFFFFB0] =	vst v14;
	v14 =	vld.idx.msk [tilespmem:v29+s16+$0x0], $0xffff  }
0x102: {  	v48 =	vmul.f32 v13, v17;
	[tilespmem:s0+$0xFFFFFFA0] =	vst v15;
	v15 =	vld.idx.msk [tilespmem:v28+s16+$0x0], $0xffff;
	v33 =	vadd.f32 v63, v46  }
0x103: {  	v49 =	vmul.f32 v12, v17;
	v34 =	vadd.f32 v44, v47;
	[tilespmem:s0+$0xFFFFFF90] =	vst v16;
	v16 =	vld.idx.msk [tilespmem:v26+s16+$0x0], $0xffff  }
0x104: {  	v51 =	vmul.f32 v11, v17;
	v32 =	vadd.f32 v45, v48;
	v50 =	vld.idx.msk [tilespmem:v22+s16+$0x0], $0xffff;
	[tilespmem:s0+$0x0] =	vst v33  }
0x105: {  	v53 =	vmul.f32 v10, v17;
	[tilespmem:s0+$0x70] =	vst v34;
	v52 =	vld.idx.msk [tilespmem:v25+s17+$0x0], $0xffff;
	v21 =	vadd.f32 v21, v49  }
0x106: {  	v54 =	vmul.f32 v9, v17;
	[tilespmem:s0+$0x60] =	vst v32;
	v55 =	vld.idx.msk [tilespmem:v24+s17+$0x0], $0xffff;
	v14 =	vadd.f32 v14, v51  }
0x107: {  	v17 =	vmul.f32 v8, v17;
	v15 =	vadd.f32 v15, v53;
	[tilespmem:s0+$0x50] =	vst v21;
	v21 =	vld.idx.msk [tilespmem:v23+s17+$0x0], $0xffff  }
0x108: {  	v56 =	vmul.f32 v31, v18;
	v16 =	vadd.f32 v16, v54;
	[tilespmem:s0+$0x40] =	vst v14;
	v14 =	vld.idx.msk [tilespmem:v30+s17+$0x0], $0xffff  }
0x109: {  	v57 =	vmul.f32 v27, v18;
	v17 =	vadd.f32 v50, v17;
	[tilespmem:s0+$0x30] =	vst v15;
	v15 =	vld.idx.msk [tilespmem:v29+s17+$0x0], $0xffff  }
0x10a: {  	v58 =	vmul.f32 v13, v18;
	[tilespmem:s0+$0x20] =	vst v16;
	v16 =	vld.idx.msk [tilespmem:v28+s17+$0x0], $0xffff;
	v33 =	vadd.f32 v52, v56  }
0x10b: {  	v59 =	vmul.f32 v12, v18;
	v32 =	vadd.f32 v55, v57;
	[tilespmem:s0+$0x10] =	vst v17;
	v17 =	vld.idx.msk [tilespmem:v26+s17+$0x0], $0xffff  }
0x10c: {  	v61 =	vmul.f32 v11, v18;
	v60 =	vld.idx.msk [tilespmem:v22+s17+$0x0], $0xffff;
	[tilespmem:s0+$0x80] =	vst v33;
	v21 =	vadd.f32 v21, v58  }
0x10d: {  	v63 =	vmul.f32 v10, v18;
	[tilespmem:s0+$0xF0] =	vst v32;
	v62 =	vld.idx.msk [tilespmem:v25+s18+$0x0], $0xffff;
	v14 =	vadd.f32 v14, v59  }
0x10e: {  	v36 =	vmul.f32 v9, v18;
	v15 =	vadd.f32 v15, v61;
	[tilespmem:s0+$0xE0] =	vst v21;
	v21 =	vld.idx.msk [tilespmem:v24+s18+$0x0], $0xffff  }
0x10f: {  	v18 =	vmul.f32 v8, v18;
	v16 =	vadd.f32 v16, v63;
	[tilespmem:s0+$0xD0] =	vst v14;
	v14 =	vld.idx.msk [tilespmem:v23+s18+$0x0], $0xffff  }
0x110: {  	v38 =	vmul.f32 v31, v19;
	v17 =	vadd.f32 v17, v36;
	[tilespmem:s0+$0xC0] =	vst v15;
	v15 =	vld.idx.msk [tilespmem:v30+s18+$0x0], $0xffff  }
0x111: {  	v39 =	vmul.f32 v27, v19;
	v18 =	vadd.f32 v60, v18;
	[tilespmem:s0+$0xB0] =	vst v16;
	v16 =	vld.idx.msk [tilespmem:v29+s18+$0x0], $0xffff  }
0x112: {  	v40 =	vmul.f32 v13, v19;
	[tilespmem:s0+$0xA0] =	vst v17;
	v17 =	vld.idx.msk [tilespmem:v28+s18+$0x0], $0xffff;
	v32 =	vadd.f32 v62, v38  }
0x113: {  	v41 =	vmul.f32 v12, v19;
	[tilespmem:s0+$0x90] =	vst v18;
	v18 =	vld.idx.msk [tilespmem:v26+s18+$0x0], $0xffff;
	v21 =	vadd.f32 v21, v39  }
0x114: {  	v43 =	vmul.f32 v11, v19;
	v42 =	vld.idx.msk [tilespmem:v22+s18+$0x0], $0xffff;
	[tilespmem:s0+$0x100] =	vst v32;
	v14 =	vadd.f32 v14, v40  }
0x115: {  	v44 =	vmul.f32 v10, v19;
	v25 =	vld.idx.msk [tilespmem:v25+s19+$0x0], $0xffff;
	v15 =	vadd.f32 v15, v41;
	[tilespmem:s0+$0x170] =	vst v21  }
0x116: {  	v21 =	vmul.f32 v9, v19;
	v16 =	vadd.f32 v16, v43;
	[tilespmem:s0+$0x160] =	vst v14;
	v14 =	vld.idx.msk [tilespmem:v24+s19+$0x0], $0xffff  }
0x117: {  	v19 =	vmul.f32 v8, v19;
	v17 =	vadd.f32 v17, v44;
	[tilespmem:s0+$0x150] =	vst v15;
	v15 =	vld.idx.msk [tilespmem:v23+s19+$0x0], $0xffff  }
0x118: {  	v18 =	vadd.f32 v18, v21;
	[tilespmem:s0+$0x140] =	vst v16;
	v16 =	vld.idx.msk [tilespmem:v30+s19+$0x0], $0xffff;
	v21 =	vmul.f32 v31, v20  }
0x119: {  	v23 =	vmul.f32 v27, v20;
	v19 =	vadd.f32 v42, v19;
	[tilespmem:s0+$0x130] =	vst v17;
	v17 =	vld.idx.msk [tilespmem:v29+s19+$0x0], $0xffff  }
0x11a: {  	v13 =	vmul.f32 v13, v20;
	[tilespmem:s0+$0x120] =	vst v18;
	v18 =	vld.idx.msk [tilespmem:v28+s19+$0x0], $0xffff;
	v21 =	vadd.f32 v25, v21  }
0x11b: {  	v12 =	vmul.f32 v12, v20;
	[tilespmem:s0+$0x110] =	vst v19;
	v19 =	vld.idx.msk [tilespmem:v26+s19+$0x0], $0xffff;
	v14 =	vadd.f32 v14, v23  }
0x11c: {  	v11 =	vmul.f32 v11, v20;
	v22 =	vld.idx.msk [tilespmem:v22+s19+$0x0], $0xffff;
	[tilespmem:s0+$0x180] =	vst v21;
	v13 =	vadd.f32 v15, v13  }
0x11d: {  	v10 =	vmul.f32 v10, v20;
	v12 =	vadd.f32 v16, v12;
	[tilespmem:s0+$0x1F0] =	vst v14  }
0x11e: {  	v9 =	vmul.f32 v9, v20;
	v11 =	vadd.f32 v17, v11;
	[tilespmem:s0+$0x1E0] =	vst v13  }
0x11f: {  	v8 =	vmul.f32 v8, v20;
	v10 =	vadd.f32 v18, v10;
	[tilespmem:s0+$0x1D0] =	vst v12  }
0x120: {  	v9 =	vadd.f32 v19, v9;
	[tilespmem:s0+$0x1C0] =	vst v11  }
0x121: {  	s4 =	sshll.u32 s28, $0xC;
	v8 =	vadd.f32 v22, v8;
	[tilespmem:s0+$0x1B0] =	vst v10  }
0x122: {  	s12 =	sshll.u32 s29, $0xF;
	s4 =	sadd.s32 s3, s4;
	[tilespmem:s0+$0x1A0] =	vst v9  }
0x123: {  	s31 =	sadd.s32 s26, s8;
	s30 =	sadd.s32 s12, s4;
	s4 =	simm.s32 @!p0 $0x2;
	[tilespmem:s0+$0x190] =	vst v8  }
0x124: {  	[hbm4b:s30+s5] =	stream.linear.scatter [tilespmem:s20], [sflag:$0x1], $0x8000, $0x38;
	[tilespmem:$0x13080] =	vst v63  }
0x125: {  	s26 =	sadd.s32 $0x1, s31;
	_ =	swait.ge @!p0 [sflag:s4], $0x8000  }
0x126: {  	s0 =	sand.u32 $0x7, s26;
	[sflag:s4] =	ssyncset.done @!p0 $0x0  }
0x127: {  	s12 =	sshll.u32 s0, $0x3;
	[sflag:s4] =	ssyncadd.s32 @!p0 $0xFFFF8000  }
0x128: {  	s30 =	simm.s32 $0x1040;
	v20 =	vld [tilespmem:s12+$0x3000]  }
0x129: {  	v23 =	vld [tilespmem:s30+$0xFFFFFFD0]  }
0x12a: {  	v24 =	vld [tilespmem:s30+$0xFFFFFFE0]  }
0x12b: {  	v25 =	vld [tilespmem:s30+$0xFFFFFFF0]  }
0x12c: {  	v26 =	vld [tilespmem:s30+$0x0]  }
0x12d: {  	v27 =	vld [tilespmem:s30+$0x10]  }
0x12e: {  	s31 =	simm.s32 $0x40;
	v28 =	vld [tilespmem:s30+$0x20]  }
0x12f: {  	v8 =	vld [tilespmem:s31+$0xFFFFFFC0]  }
0x130: {  	v9 =	vld [tilespmem:s31+$0x30]  }
0x131: {  	v10 =	vld [tilespmem:s31+$0x20]  }
0x132: {  	s0 =	sshll.u32 s0, $0x9;
	v11 =	vld [tilespmem:s31+$0x10]  }
0x133: {  	v22 =	vmov s0;
	v12 =	vld [tilespmem:s31+$0x0]  }
0x134: {  	v38 =	vadd.s32 v22, v8;
	v8 =	vld [tilespmem:s31+$0xFFFFFFF0]  }
0x135: {  	v13 =	vld [tilespmem:s31+$0xFFFFFFE0];
	v37 =	vadd.s32 v22, v9  }
0x136: {  	v9 =	vld [tilespmem:s31+$0xFFFFFFD0];
	v36 =	vadd.s32 v22, v10  }
0x137: {  	v29 =	vld [tilespmem:s30+$0x30];
	v34 =	vadd.s32 v22, v11  }
0x138: {  	v35 =	vld [tilespmem:s30+$0xFFFFFFC0];
	v32 =	vadd.s32 v22, v12  }
0x139: {  	v10 =	vld.idx.msk [tilespmem:v38+s10+$0x0], $0xffff;
	v33 =	vadd.s32 v22, v8  }
0x13a: {  	v30 =	vadd.s32 v22, v13;
	v8 =	vld.idx.msk [tilespmem:v37+s10+$0x0], $0xffff  }
0x13b: {  	v21 =	vperm.xlane v20, v0;
	v31 =	vadd.s32 v22, v9;
	v9 =	vld.idx.msk [tilespmem:v36+s10+$0x0], $0xffff  }
0x13c: {  	v11 =	vld.idx.msk [tilespmem:v34+s10+$0x0], $0xffff  }
0x13d: {  	v12 =	vmul.f32 v35, v21;
	v13 =	vld.idx.msk [tilespmem:v32+s10+$0x0], $0xffff  }
0x13e: {  	v14 =	vmul.f32 v29, v21;
	v15 =	vld.idx.msk [tilespmem:v33+s10+$0x0], $0xffff  }
0x13f: {  	v16 =	vmul.f32 v28, v21;
	v10 =	vadd.f32 v12, v10;
	v12 =	vld.idx.msk [tilespmem:v30+s10+$0x0], $0xffff  }
0x140: {  	s28 =	simm.s32 $0xB280;
	s29 =	simm.s32 $0x10C0;
	v18 =	vmul.f32 v27, v21;
	v17 =	vld.idx.msk [tilespmem:v31+s10+$0x0], $0xffff;
	v19 =	vadd.f32 v14, v8  }
0x141: {  	v45 =	vmul.f32 v25, v21;
	v8 =	vld [tilespmem:s29+$0xFFFFFFD0];
	v9 =	vadd.f32 v16, v9;
	[tilespmem:s28+$0xFFFFFE00] =	vst v10;
	v10 =	vmul.f32 v26, v21  }
0x142: {  	v14 =	vperm.xlane v20, v1;
	v11 =	vadd.f32 v18, v11;
	[tilespmem:s28+$0xFFFFFE70] =	vst v19;
	v16 =	vld.idx.msk [tilespmem:v38+s13+$0x0], $0xffff  }
0x143: {  	v18 =	vmul.f32 v24, v21;
	[tilespmem:s28+$0xFFFFFE60] =	vst v9;
	v9 =	vld.idx.msk [tilespmem:v37+s13+$0x0], $0xffff;
	v10 =	vadd.f32 v10, v13  }
0x144: {  	[tilespmem:s28+$0xFFFFFE50] =	vst v11;
	v11 =	vld.idx.msk [tilespmem:v36+s13+$0x0], $0xffff;
	v13 =	vmul.f32 v23, v21;
	v15 =	vadd.f32 v45, v15  }
0x145: {  	v12 =	vadd.f32 v18, v12;
	[tilespmem:s28+$0xFFFFFE40] =	vst v10;
	v10 =	vld.idx.msk [tilespmem:v34+s13+$0x0], $0xffff  }
0x146: {  	v18 =	vmul.f32 v35, v14;
	v13 =	vadd.f32 v13, v17;
	[tilespmem:s28+$0xFFFFFE30] =	vst v15;
	v17 =	vld.idx.msk [tilespmem:v32+s13+$0x0], $0xffff  }
0x147: {  	[tilespmem:s28+$0xFFFFFE20] =	vst v12;
	v15 =	vmul.f32 v29, v14;
	v12 =	vld.idx.msk [tilespmem:v33+s13+$0x0], $0xffff  }
0x148: {  	v16 =	vadd.f32 v16, v18;
	[tilespmem:s28+$0xFFFFFE10] =	vst v13;
	v13 =	vld.idx.msk [tilespmem:v30+s13+$0x0], $0xffff;
	v18 =	vmul.f32 v28, v14  }
0x149: {  	v46 =	vmul.f32 v27, v14;
	v19 =	vld.idx.msk [tilespmem:v31+s13+$0x0], $0xffff;
	v47 =	vadd.f32 v9, v15  }
0x14a: {  	v48 =	vmul.f32 v25, v14;
	v9 =	vld [tilespmem:s29+$0xFFFFFFE0];
	[tilespmem:s28+$0xFFFFFE80] =	vst v16;
	v16 =	vmul.f32 v26, v14;
	v11 =	vadd.f32 v11, v18  }
0x14b: {  	v49 =	vmul.f32 v24, v14;
	v18 =	vld.idx.msk [tilespmem:v38+s14+$0x0], $0xffff;
	v10 =	vadd.f32 v10, v46;
	[tilespmem:s28+$0xFFFFFEF0] =	vst v47  }
0x14c: {  	v15 =	vperm.xlane v20, v2;
	v16 =	vadd.f32 v17, v16;
	[tilespmem:s28+$0xFFFFFEE0] =	vst v11;
	v11 =	vld.idx.msk [tilespmem:v37+s14+$0x0], $0xffff  }
0x14d: {  	v17 =	vmul.f32 v23, v14;
	v12 =	vadd.f32 v12, v48;
	[tilespmem:s28+$0xFFFFFED0] =	vst v10;
	v50 =	vld.idx.msk [tilespmem:v36+s14+$0x0], $0xffff  }
0x14e: {  	v10 =	vadd.f32 v13, v49;
	[tilespmem:s28+$0xFFFFFEC0] =	vst v16;
	v13 =	vld.idx.msk [tilespmem:v34+s14+$0x0], $0xffff  }
0x14f: {  	v16 =	vmul.f32 v35, v15;
	v17 =	vadd.f32 v19, v17;
	[tilespmem:s28+$0xFFFFFEB0] =	vst v12;
	v12 =	vld.idx.msk [tilespmem:v32+s14+$0x0], $0xffff  }
0x150: {  	[tilespmem:s28+$0xFFFFFEA0] =	vst v10;
	v10 =	vmul.f32 v29, v15;
	v19 =	vld.idx.msk [tilespmem:v33+s14+$0x0], $0xffff  }
0x151: {  	v51 =	vmul.f32 v28, v15;
	v18 =	vadd.f32 v18, v16;
	[tilespmem:s28+$0xFFFFFE90] =	vst v17;
	v17 =	vld.idx.msk [tilespmem:v30+s14+$0x0], $0xffff  }
0x152: {  	v53 =	vmul.f32 v27, v15;
	v52 =	vld.idx.msk [tilespmem:v31+s14+$0x0], $0xffff;
	v11 =	vadd.f32 v11, v10  }
0x153: {  	v43 =	vmul.f32 v25, v15;
	v10 =	vld [tilespmem:s29+$0xFFFFFFF0];
	[tilespmem:s28+$0xFFFFFF00] =	vst v18;
	v18 =	vmul.f32 v26, v15;
	v39 =	vadd.f32 v50, v51  }
0x154: {  	v55 =	vmul.f32 v23, v15;
	v54 =	vld.idx.msk [tilespmem:v38+s15+$0x0], $0xffff;
	v13 =	vadd.f32 v13, v53;
	[tilespmem:s28+$0xFFFFFF70] =	vst v11  }
0x155: {  	v11 =	vmul.f32 v24, v15;
	v12 =	vadd.f32 v12, v18;
	[tilespmem:s28+$0xFFFFFF60] =	vst v39;
	v18 =	vld.idx.msk [tilespmem:v37+s15+$0x0], $0xffff  }
0x156: {  	v16 =	vperm.xlane v20, v3;
	v19 =	vadd.f32 v19, v43;
	[tilespmem:s28+$0xFFFFFF50] =	vst v13;
	v13 =	vld.idx.msk [tilespmem:v36+s15+$0x0], $0xffff  }
0x157: {  	v11 =	vadd.f32 v17, v11;
	[tilespmem:s28+$0xFFFFFF40] =	vst v12;
	v12 =	vld.idx.msk [tilespmem:v34+s15+$0x0], $0xffff  }
0x158: {  	v17 =	vmul.f32 v35, v16;
	v39 =	vadd.f32 v52, v55;
	[tilespmem:s28+$0xFFFFFF30] =	vst v19;
	v19 =	vld.idx.msk [tilespmem:v32+s15+$0x0], $0xffff  }
0x159: {  	[tilespmem:s28+$0xFFFFFF20] =	vst v11;
	v11 =	vmul.f32 v29, v16;
	v56 =	vld.idx.msk [tilespmem:v33+s15+$0x0], $0xffff  }
0x15a: {  	v58 =	vmul.f32 v28, v16;
	v40 =	vadd.f32 v54, v17;
	[tilespmem:s28+$0xFFFFFF10] =	vst v39;
	v57 =	vld.idx.msk [tilespmem:v30+s15+$0x0], $0xffff  }
0x15b: {  	v44 =	vmul.f32 v27, v16;
	v59 =	vld.idx.msk [tilespmem:v31+s15+$0x0], $0xffff;
	v18 =	vadd.f32 v18, v11  }
0x15c: {  	v60 =	vmul.f32 v26, v16;
	v45 =	vmul.f32 v25, v16;
	v11 =	vld [tilespmem:s29+$0x0];
	[tilespmem:s28+$0xFFFFFF80] =	vst v40;
	v13 =	vadd.f32 v13, v58  }
0x15d: {  	v62 =	vmul.f32 v23, v16;
	v61 =	vld.idx.msk [tilespmem:v38+s16+$0x0], $0xffff;
	v12 =	vadd.f32 v12, v44;
	[tilespmem:s28+$0xFFFFFFF0] =	vst v18  }
0x15e: {  	v18 =	vmul.f32 v24, v16;
	v19 =	vadd.f32 v19, v60;
	[tilespmem:s28+$0xFFFFFFE0] =	vst v13;
	v13 =	vld.idx.msk [tilespmem:v37+s16+$0x0], $0xffff  }
0x15f: {  	v17 =	vperm.xlane v20, v4;
	v41 =	vadd.f32 v56, v45;
	[tilespmem:s28+$0xFFFFFFD0] =	vst v12;
	v63 =	vld.idx.msk [tilespmem:v36+s16+$0x0], $0xffff  }
0x160: {  	v12 =	vadd.f32 v57, v18;
	[tilespmem:s28+$0xFFFFFFC0] =	vst v19;
	v19 =	vld.idx.msk [tilespmem:v34+s16+$0x0], $0xffff  }
0x161: {  	v18 =	vmul.f32 v35, v17;
	v47 =	vadd.f32 v59, v62;
	[tilespmem:s28+$0xFFFFFFB0] =	vst v41;
	v48 =	vld.idx.msk [tilespmem:v32+s16+$0x0], $0xffff  }
0x162: {  	[tilespmem:s28+$0xFFFFFFA0] =	vst v12;
	v12 =	vmul.f32 v29, v17;
	v41 =	vld.idx.msk [tilespmem:v33+s16+$0x0], $0xffff  }
0x163: {  	v50 =	vmul.f32 v28, v17;
	v42 =	vadd.f32 v61, v18;
	[tilespmem:s28+$0xFFFFFF90] =	vst v47;
	v49 =	vld.idx.msk [tilespmem:v30+s16+$0x0], $0xffff  }
0x164: {  	v46 =	vmul.f32 v27, v17;
	v51 =	vld.idx.msk [tilespmem:v31+s16+$0x0], $0xffff;
	v13 =	vadd.f32 v13, v12  }
0x165: {  	v52 =	vmul.f32 v26, v17;
	v55 =	vmul.f32 v23, v17;
	v12 =	vld [tilespmem:s29+$0x10];
	[tilespmem:s28+$0x0] =	vst v42;
	v43 =	vadd.f32 v63, v50  }
0x166: {  	v47 =	vmul.f32 v25, v17;
	v53 =	vld.idx.msk [tilespmem:v38+s17+$0x0], $0xffff;
	v19 =	vadd.f32 v19, v46;
	[tilespmem:s28+$0x70] =	vst v13  }
0x167: {  	v13 =	vmul.f32 v24, v17;
	v40 =	vadd.f32 v48, v52;
	[tilespmem:s28+$0x60] =	vst v43;
	v54 =	vld.idx.msk [tilespmem:v37+s17+$0x0], $0xffff  }
0x168: {  	v18 =	vperm.xlane v20, v5;
	v41 =	vadd.f32 v41, v47;
	[tilespmem:s28+$0x50] =	vst v19;
	v56 =	vld.idx.msk [tilespmem:v36+s17+$0x0], $0xffff  }
0x169: {  	v13 =	vadd.f32 v49, v13;
	[tilespmem:s28+$0x40] =	vst v40;
	v57 =	vld.idx.msk [tilespmem:v34+s17+$0x0], $0xffff  }
0x16a: {  	v19 =	vmul.f32 v35, v18;
	v58 =	vadd.f32 v51, v55;
	[tilespmem:s28+$0x30] =	vst v41;
	v59 =	vld.idx.msk [tilespmem:v32+s17+$0x0], $0xffff  }
0x16b: {  	[tilespmem:s28+$0x20] =	vst v13;
	v13 =	vmul.f32 v29, v18;
	v60 =	vld.idx.msk [tilespmem:v33+s17+$0x0], $0xffff  }
0x16c: {  	v62 =	vmul.f32 v28, v18;
	v44 =	vadd.f32 v53, v19;
	[tilespmem:s28+$0x10] =	vst v58;
	v61 =	vld.idx.msk [tilespmem:v30+s17+$0x0], $0xffff  }
0x16d: {  	v48 =	vmul.f32 v27, v18;
	v63 =	vld.idx.msk [tilespmem:v31+s17+$0x0], $0xffff;
	v42 =	vadd.f32 v54, v13  }
0x16e: {  	v52 =	vmul.f32 v26, v18;
	v49 =	vmul.f32 v25, v18;
	v13 =	vld [tilespmem:s29+$0x20];
	[tilespmem:s28+$0x80] =	vst v44;
	v45 =	vadd.f32 v56, v62  }
0x16f: {  	v19 =	vperm.xlane v20, v6;
	v53 =	vld.idx.msk [tilespmem:v38+s18+$0x0], $0xffff;
	v39 =	vadd.f32 v57, v48;
	[tilespmem:s28+$0xF0] =	vst v42  }
0x170: {  	v54 =	vmul.f32 v24, v18;
	v41 =	vadd.f32 v59, v52;
	[tilespmem:s28+$0xE0] =	vst v45;
	v55 =	vld.idx.msk [tilespmem:v37+s18+$0x0], $0xffff  }
0x171: {  	v56 =	vmul.f32 v23, v18;
	v43 =	vadd.f32 v60, v49;
	[tilespmem:s28+$0xD0] =	vst v39;
	v57 =	vld.idx.msk [tilespmem:v36+s18+$0x0], $0xffff  }
0x172: {  	v40 =	vadd.f32 v61, v54;
	[tilespmem:s28+$0xC0] =	vst v41;
	v58 =	vld.idx.msk [tilespmem:v34+s18+$0x0], $0xffff  }
0x173: {  	v59 =	vmul.f32 v35, v19;
	v45 =	vadd.f32 v63, v56;
	[tilespmem:s28+$0xB0] =	vst v43;
	v60 =	vld.idx.msk [tilespmem:v32+s18+$0x0], $0xffff  }
0x174: {  	v62 =	vmul.f32 v29, v19;
	[tilespmem:s28+$0xA0] =	vst v40;
	v61 =	vld.idx.msk [tilespmem:v33+s18+$0x0], $0xffff  }
0x175: {  	v52 =	vmul.f32 v28, v19;
	v42 =	vadd.f32 v53, v59;
	[tilespmem:s28+$0x90] =	vst v45;
	v63 =	vld.idx.msk [tilespmem:v30+s18+$0x0], $0xffff  }
0x176: {  	s0 =	simm.s32 $0xC0;
	v53 =	vld.idx.msk [tilespmem:v31+s18+$0x0], $0xffff;
	v44 =	vadd.f32 v55, v62  }
0x177: {  	v54 =	vmul.f32 v27, v19;
	v55 =	vld [tilespmem:s0+$0xFFFFFFC0];
	[tilespmem:s28+$0x100] =	vst v42;
	v39 =	vadd.f32 v57, v52  }
0x178: {  	v56 =	vmul.f32 v26, v19;
	v38 =	vld.idx.msk [tilespmem:v38+s19+$0x0], $0xffff;
	[tilespmem:s28+$0x170] =	vst v44  }
0x179: {  	v57 =	vmul.f32 v25, v19;
	v41 =	vadd.f32 v58, v54;
	[tilespmem:s28+$0x160] =	vst v39;
	v37 =	vld.idx.msk [tilespmem:v37+s19+$0x0], $0xffff  }
0x17a: {  	v20 =	vperm.xlane v20, v7;
	v58 =	vmul.f32 v24, v19;
	v42 =	vadd.f32 v60, v56;
	v36 =	vld.idx.msk [tilespmem:v36+s19+$0x0], $0xffff  }
0x17b: {  	v59 =	vmul.f32 v23, v19;
	v40 =	vadd.f32 v61, v57;
	[tilespmem:s28+$0x150] =	vst v41;
	v61 =	vld [tilespmem:s0+$0x30]  }
0x17c: {  	v35 =	vmul.f32 v35, v20;
	v60 =	vadd.f32 v63, v58;
	[tilespmem:s28+$0x140] =	vst v42;
	v34 =	vld.idx.msk [tilespmem:v34+s19+$0x0], $0xffff  }
0x17d: {  	v29 =	vmul.f32 v29, v20;
	v39 =	vadd.f32 v53, v59;
	[tilespmem:s28+$0x130] =	vst v40;
	v32 =	vld.idx.msk [tilespmem:v32+s19+$0x0], $0xffff  }
0x17e: {  	v28 =	vmul.f32 v28, v20;
	[tilespmem:s28+$0x120] =	vst v60;
	v33 =	vld.idx.msk [tilespmem:v33+s19+$0x0], $0xffff;
	v35 =	vadd.f32 v38, v35  }
0x17f: {  	v27 =	vmul.f32 v27, v20;
	[tilespmem:s28+$0x110] =	vst v39;
	v30 =	vld.idx.msk [tilespmem:v30+s19+$0x0], $0xffff;
	v29 =	vadd.f32 v37, v29  }
0x180: {  	v26 =	vmul.f32 v26, v20;
	v31 =	vld.idx.msk [tilespmem:v31+s19+$0x0], $0xffff;
	[tilespmem:s28+$0x180] =	vst v35;
	v28 =	vadd.f32 v36, v28  }
0x181: {  	v62 =	vld [tilespmem:s0+$0x20];
	v25 =	vmul.f32 v25, v20;
	v34 =	vadd.f32 v34, v27;
	[tilespmem:s28+$0x1F0] =	vst v29  }
0x182: {  	v24 =	vmul.f32 v24, v20;
	v27 =	vld [tilespmem:s0+$0x10];
	v29 =	vadd.f32 v32, v26;
	[tilespmem:s28+$0x1E0] =	vst v28  }
0x183: {  	v23 =	vmul.f32 v23, v20;
	v28 =	vld [tilespmem:s0+$0x0];
	v63 =	vadd.f32 v33, v25;
	[tilespmem:s28+$0x1D0] =	vst v34  }
0x184: {  	v26 =	vld [tilespmem:s0+$0xFFFFFFF0];
	v30 =	vadd.f32 v30, v24;
	v25 =	vadd.s32 v22, v55;
	[tilespmem:s28+$0x1C0] =	vst v29  }
0x185: {  	v34 =	vld [tilespmem:s0+$0xFFFFFFE0];
	v24 =	vadd.s32 v22, v61;
	v32 =	vadd.f32 v31, v23;
	[tilespmem:s28+$0x1B0] =	vst v63  }
0x186: {  	s4 =	simm.s32 $0x80;
	v35 =	vld [tilespmem:s0+$0xFFFFFFD0];
	v23 =	vadd.s32 v22, v62;
	[tilespmem:s28+$0x1A0] =	vst v30  }
.LBB2_5:
0x187: {  	s4 =	sadd.s32 $0x80, s4;
	v30 =	vadd.s32 v22, v27;
	v27 =	vld [tilespmem:s29+$0x30];
	[tilespmem:s28+$0x190] =	vst v32;
	s28 =	sadd.s32 $0x400, s28  }
0x188: {  	p0 =	slt.u32 s4, $0xF80;
	v33 =	vld [tilespmem:s29+$0xFFFFFFC0];
	v32 =	vadd.s32 v22, v28  }
0x189: {  	v36 =	vld.idx.msk [tilespmem:v25+s10+$0x0], $0xffff;
	v31 =	vadd.s32 v22, v26  }
0x18a: {  	v29 =	vadd.s32 v22, v34;
	v26 =	vld.idx.msk [tilespmem:v24+s10+$0x0], $0xffff  }
0x18b: {  	v28 =	vadd.s32 v22, v35;
	v34 =	vld.idx.msk [tilespmem:v23+s10+$0x0], $0xffff  }
0x18c: {  	v35 =	vld.idx.msk [tilespmem:v30+s10+$0x0], $0xffff  }
0x18d: {  	v37 =	vmul.f32 v33, v21;
	v38 =	vld.idx.msk [tilespmem:v32+s10+$0x0], $0xffff  }
0x18e: {  	v40 =	vmul.f32 v27, v21;
	v39 =	vld.idx.msk [tilespmem:v31+s10+$0x0], $0xffff  }
0x18f: {  	v41 =	vmul.f32 v13, v21;
	v36 =	vadd.f32 v37, v36;
	v37 =	vld.idx.msk [tilespmem:v29+s10+$0x0], $0xffff  }
0x190: {  	v43 =	vmul.f32 v12, v21;
	s29 =	sadd.s32 $0x80, s29;
	v40 =	vadd.f32 v40, v26;
	v42 =	vld.idx.msk [tilespmem:v28+s10+$0x0], $0xffff  }
0x191: {  	v34 =	vadd.f32 v41, v34;
	v26 =	vld [tilespmem:s29+$0xFFFFFFD0];
	[tilespmem:s28+$0xFFFFFE00] =	vst v36;
	v36 =	vmul.f32 v11, v21  }
0x192: {  	v44 =	vmul.f32 v10, v21;
	v35 =	vadd.f32 v43, v35;
	v41 =	vld.idx.msk [tilespmem:v25+s13+$0x0], $0xffff;
	[tilespmem:s28+$0xFFFFFE70] =	vst v40  }
0x193: {  	v40 =	vmul.f32 v9, v21;
	v36 =	vadd.f32 v36, v38;
	[tilespmem:s28+$0xFFFFFE60] =	vst v34;
	v34 =	vld.idx.msk [tilespmem:v24+s13+$0x0], $0xffff  }
0x194: {  	v38 =	vmul.f32 v8, v21;
	v39 =	vadd.f32 v44, v39;
	[tilespmem:s28+$0xFFFFFE50] =	vst v35;
	v35 =	vld.idx.msk [tilespmem:v23+s13+$0x0], $0xffff  }
0x195: {  	v37 =	vadd.f32 v40, v37;
	[tilespmem:s28+$0xFFFFFE40] =	vst v36;
	v36 =	vld.idx.msk [tilespmem:v30+s13+$0x0], $0xffff  }
0x196: {  	v40 =	vmul.f32 v33, v14;
	v38 =	vadd.f32 v38, v42;
	[tilespmem:s28+$0xFFFFFE30] =	vst v39;
	v39 =	vld.idx.msk [tilespmem:v32+s13+$0x0], $0xffff  }
0x197: {  	v42 =	vmul.f32 v27, v14;
	[tilespmem:s28+$0xFFFFFE20] =	vst v37;
	v37 =	vld.idx.msk [tilespmem:v31+s13+$0x0], $0xffff  }
0x198: {  	v40 =	vadd.f32 v41, v40;
	v41 =	vmul.f32 v13, v14;
	[tilespmem:s28+$0xFFFFFE10] =	vst v38;
	v38 =	vld.idx.msk [tilespmem:v29+s13+$0x0], $0xffff  }
0x199: {  	v44 =	vmul.f32 v12, v14;
	v42 =	vadd.f32 v34, v42;
	v43 =	vld.idx.msk [tilespmem:v28+s13+$0x0], $0xffff  }
0x19a: {  	v35 =	vadd.f32 v35, v41;
	v34 =	vld [tilespmem:s29+$0xFFFFFFE0];
	[tilespmem:s28+$0xFFFFFE80] =	vst v40;
	v40 =	vmul.f32 v11, v14  }
0x19b: {  	v45 =	vmul.f32 v10, v14;
	v36 =	vadd.f32 v36, v44;
	v41 =	vld.idx.msk [tilespmem:v25+s14+$0x0], $0xffff;
	[tilespmem:s28+$0xFFFFFEF0] =	vst v42  }
0x19c: {  	v42 =	vmul.f32 v9, v14;
	v39 =	vadd.f32 v39, v40;
	[tilespmem:s28+$0xFFFFFEE0] =	vst v35;
	v35 =	vld.idx.msk [tilespmem:v24+s14+$0x0], $0xffff  }
0x19d: {  	v40 =	vmul.f32 v8, v14;
	v37 =	vadd.f32 v37, v45;
	[tilespmem:s28+$0xFFFFFED0] =	vst v36;
	v36 =	vld.idx.msk [tilespmem:v23+s14+$0x0], $0xffff  }
0x19e: {  	v38 =	vadd.f32 v38, v42;
	[tilespmem:s28+$0xFFFFFEC0] =	vst v39;
	v39 =	vld.idx.msk [tilespmem:v30+s14+$0x0], $0xffff  }
0x19f: {  	v42 =	vmul.f32 v33, v15;
	v40 =	vadd.f32 v43, v40;
	[tilespmem:s28+$0xFFFFFEB0] =	vst v37;
	v37 =	vld.idx.msk [tilespmem:v32+s14+$0x0], $0xffff  }
0x1a0: {  	v43 =	vmul.f32 v27, v15;
	[tilespmem:s28+$0xFFFFFEA0] =	vst v38;
	v38 =	vld.idx.msk [tilespmem:v31+s14+$0x0], $0xffff  }
0x1a1: {  	v41 =	vadd.f32 v41, v42;
	v42 =	vmul.f32 v13, v15;
	[tilespmem:s28+$0xFFFFFE90] =	vst v40;
	v40 =	vld.idx.msk [tilespmem:v29+s14+$0x0], $0xffff  }
0x1a2: {  	v45 =	vmul.f32 v12, v15;
	v43 =	vadd.f32 v35, v43;
	v44 =	vld.idx.msk [tilespmem:v28+s14+$0x0], $0xffff  }
0x1a3: {  	v36 =	vadd.f32 v36, v42;
	v35 =	vld [tilespmem:s29+$0xFFFFFFF0];
	[tilespmem:s28+$0xFFFFFF00] =	vst v41;
	v41 =	vmul.f32 v11, v15  }
0x1a4: {  	v46 =	vmul.f32 v10, v15;
	v39 =	vadd.f32 v39, v45;
	v42 =	vld.idx.msk [tilespmem:v25+s15+$0x0], $0xffff;
	[tilespmem:s28+$0xFFFFFF70] =	vst v43  }
0x1a5: {  	v43 =	vmul.f32 v9, v15;
	v37 =	vadd.f32 v37, v41;
	[tilespmem:s28+$0xFFFFFF60] =	vst v36;
	v36 =	vld.idx.msk [tilespmem:v24+s15+$0x0], $0xffff  }
0x1a6: {  	v41 =	vmul.f32 v8, v15;
	v38 =	vadd.f32 v38, v46;
	[tilespmem:s28+$0xFFFFFF50] =	vst v39;
	v39 =	vld.idx.msk [tilespmem:v23+s15+$0x0], $0xffff  }
0x1a7: {  	v40 =	vadd.f32 v40, v43;
	[tilespmem:s28+$0xFFFFFF40] =	vst v37;
	v37 =	vld.idx.msk [tilespmem:v30+s15+$0x0], $0xffff  }
0x1a8: {  	v43 =	vmul.f32 v33, v16;
	v41 =	vadd.f32 v44, v41;
	[tilespmem:s28+$0xFFFFFF30] =	vst v38;
	v38 =	vld.idx.msk [tilespmem:v32+s15+$0x0], $0xffff  }
0x1a9: {  	v44 =	vmul.f32 v27, v16;
	[tilespmem:s28+$0xFFFFFF20] =	vst v40;
	v40 =	vld.idx.msk [tilespmem:v31+s15+$0x0], $0xffff  }
0x1aa: {  	v42 =	vadd.f32 v42, v43;
	v43 =	vmul.f32 v13, v16;
	[tilespmem:s28+$0xFFFFFF10] =	vst v41;
	v41 =	vld.idx.msk [tilespmem:v29+s15+$0x0], $0xffff  }
0x1ab: {  	v46 =	vmul.f32 v12, v16;
	v44 =	vadd.f32 v36, v44;
	v45 =	vld.idx.msk [tilespmem:v28+s15+$0x0], $0xffff  }
0x1ac: {  	v39 =	vadd.f32 v39, v43;
	v36 =	vld [tilespmem:s29+$0x0];
	[tilespmem:s28+$0xFFFFFF80] =	vst v42;
	v42 =	vmul.f32 v11, v16  }
0x1ad: {  	v47 =	vmul.f32 v10, v16;
	v37 =	vadd.f32 v37, v46;
	v43 =	vld.idx.msk [tilespmem:v25+s16+$0x0], $0xffff;
	[tilespmem:s28+$0xFFFFFFF0] =	vst v44  }
0x1ae: {  	v44 =	vmul.f32 v9, v16;
	v38 =	vadd.f32 v38, v42;
	[tilespmem:s28+$0xFFFFFFE0] =	vst v39;
	v39 =	vld.idx.msk [tilespmem:v24+s16+$0x0], $0xffff  }
0x1af: {  	v42 =	vmul.f32 v8, v16;
	v40 =	vadd.f32 v40, v47;
	[tilespmem:s28+$0xFFFFFFD0] =	vst v37;
	v37 =	vld.idx.msk [tilespmem:v23+s16+$0x0], $0xffff  }
0x1b0: {  	v41 =	vadd.f32 v41, v44;
	[tilespmem:s28+$0xFFFFFFC0] =	vst v38;
	v38 =	vld.idx.msk [tilespmem:v30+s16+$0x0], $0xffff  }
0x1b1: {  	v44 =	vmul.f32 v33, v17;
	v42 =	vadd.f32 v45, v42;
	[tilespmem:s28+$0xFFFFFFB0] =	vst v40;
	v40 =	vld.idx.msk [tilespmem:v32+s16+$0x0], $0xffff  }
0x1b2: {  	v45 =	vmul.f32 v27, v17;
	[tilespmem:s28+$0xFFFFFFA0] =	vst v41;
	v41 =	vld.idx.msk [tilespmem:v31+s16+$0x0], $0xffff  }
0x1b3: {  	v43 =	vadd.f32 v43, v44;
	v44 =	vmul.f32 v13, v17;
	[tilespmem:s28+$0xFFFFFF90] =	vst v42;
	v42 =	vld.idx.msk [tilespmem:v29+s16+$0x0], $0xffff  }
0x1b4: {  	v47 =	vmul.f32 v12, v17;
	v39 =	vadd.f32 v39, v45;
	v46 =	vld.idx.msk [tilespmem:v28+s16+$0x0], $0xffff  }
0x1b5: {  	v37 =	vadd.f32 v37, v44;
	v45 =	vld [tilespmem:s29+$0x10];
	[tilespmem:s28+$0x0] =	vst v43;
	v43 =	vmul.f32 v11, v17  }
0x1b6: {  	v48 =	vmul.f32 v10, v17;
	v38 =	vadd.f32 v38, v47;
	v44 =	vld.idx.msk [tilespmem:v25+s17+$0x0], $0xffff;
	[tilespmem:s28+$0x70] =	vst v39  }
0x1b7: {  	v39 =	vmul.f32 v9, v17;
	v40 =	vadd.f32 v40, v43;
	[tilespmem:s28+$0x60] =	vst v37;
	v37 =	vld.idx.msk [tilespmem:v24+s17+$0x0], $0xffff  }
0x1b8: {  	v43 =	vmul.f32 v8, v17;
	v41 =	vadd.f32 v41, v48;
	[tilespmem:s28+$0x50] =	vst v38;
	v38 =	vld.idx.msk [tilespmem:v23+s17+$0x0], $0xffff  }
0x1b9: {  	v39 =	vadd.f32 v42, v39;
	[tilespmem:s28+$0x40] =	vst v40;
	v40 =	vld.idx.msk [tilespmem:v30+s17+$0x0], $0xffff  }
0x1ba: {  	v42 =	vmul.f32 v33, v18;
	v43 =	vadd.f32 v46, v43;
	[tilespmem:s28+$0x30] =	vst v41;
	v41 =	vld.idx.msk [tilespmem:v32+s17+$0x0], $0xffff  }
0x1bb: {  	v46 =	vmul.f32 v27, v18;
	[tilespmem:s28+$0x20] =	vst v39;
	v39 =	vld.idx.msk [tilespmem:v31+s17+$0x0], $0xffff  }
0x1bc: {  	v42 =	vadd.f32 v44, v42;
	v44 =	vmul.f32 v13, v18;
	[tilespmem:s28+$0x10] =	vst v43;
	v43 =	vld.idx.msk [tilespmem:v29+s17+$0x0], $0xffff  }
0x1bd: {  	v48 =	vmul.f32 v12, v18;
	v37 =	vadd.f32 v37, v46;
	v47 =	vld.idx.msk [tilespmem:v28+s17+$0x0], $0xffff  }
0x1be: {  	v38 =	vadd.f32 v38, v44;
	v46 =	vld [tilespmem:s29+$0x20];
	[tilespmem:s28+$0x80] =	vst v42;
	v42 =	vmul.f32 v11, v18  }
0x1bf: {  	v49 =	vmul.f32 v10, v18;
	v40 =	vadd.f32 v40, v48;
	v44 =	vld.idx.msk [tilespmem:v25+s18+$0x0], $0xffff;
	[tilespmem:s28+$0xF0] =	vst v37  }
0x1c0: {  	v37 =	vmul.f32 v9, v18;
	v41 =	vadd.f32 v41, v42;
	[tilespmem:s28+$0xE0] =	vst v38;
	v38 =	vld.idx.msk [tilespmem:v24+s18+$0x0], $0xffff  }
0x1c1: {  	v42 =	vmul.f32 v8, v18;
	v39 =	vadd.f32 v39, v49;
	[tilespmem:s28+$0xD0] =	vst v40;
	v40 =	vld.idx.msk [tilespmem:v23+s18+$0x0], $0xffff  }
0x1c2: {  	v37 =	vadd.f32 v43, v37;
	[tilespmem:s28+$0xC0] =	vst v41;
	v41 =	vld.idx.msk [tilespmem:v30+s18+$0x0], $0xffff  }
0x1c3: {  	v43 =	vmul.f32 v33, v19;
	v42 =	vadd.f32 v47, v42;
	[tilespmem:s28+$0xB0] =	vst v39;
	v39 =	vld.idx.msk [tilespmem:v32+s18+$0x0], $0xffff  }
0x1c4: {  	v47 =	vmul.f32 v27, v19;
	[tilespmem:s28+$0xA0] =	vst v37;
	v37 =	vld.idx.msk [tilespmem:v31+s18+$0x0], $0xffff  }
0x1c5: {  	v43 =	vadd.f32 v44, v43;
	v44 =	vmul.f32 v13, v19;
	[tilespmem:s28+$0x90] =	vst v42;
	v42 =	vld.idx.msk [tilespmem:v29+s18+$0x0], $0xffff  }
0x1c6: {  	s0 =	sadd.s32 $0x80, s0;
	v49 =	vmul.f32 v12, v19;
	v38 =	vadd.f32 v38, v47;
	v48 =	vld.idx.msk [tilespmem:v28+s18+$0x0], $0xffff  }
0x1c7: {  	v40 =	vadd.f32 v40, v44;
	v47 =	vld [tilespmem:s0+$0xFFFFFFC0];
	[tilespmem:s28+$0x100] =	vst v43;
	v43 =	vmul.f32 v11, v19  }
0x1c8: {  	v44 =	vmul.f32 v10, v19;
	v41 =	vadd.f32 v41, v49;
	v25 =	vld.idx.msk [tilespmem:v25+s19+$0x0], $0xffff;
	[tilespmem:s28+$0x170] =	vst v38  }
0x1c9: {  	v38 =	vmul.f32 v9, v19;
	v39 =	vadd.f32 v39, v43;
	[tilespmem:s28+$0x160] =	vst v40;
	v24 =	vld.idx.msk [tilespmem:v24+s19+$0x0], $0xffff  }
0x1ca: {  	v40 =	vmul.f32 v8, v19;
	v37 =	vadd.f32 v37, v44;
	[tilespmem:s28+$0x150] =	vst v41;
	v23 =	vld.idx.msk [tilespmem:v23+s19+$0x0], $0xffff  }
0x1cb: {  	v38 =	vadd.f32 v42, v38;
	[tilespmem:s28+$0x140] =	vst v39;
	v30 =	vld.idx.msk [tilespmem:v30+s19+$0x0], $0xffff  }
0x1cc: {  	v33 =	vmul.f32 v33, v20;
	v39 =	vadd.f32 v48, v40;
	[tilespmem:s28+$0x130] =	vst v37;
	v32 =	vld.idx.msk [tilespmem:v32+s19+$0x0], $0xffff  }
0x1cd: {  	v27 =	vmul.f32 v27, v20;
	[tilespmem:s28+$0x120] =	vst v38;
	v31 =	vld.idx.msk [tilespmem:v31+s19+$0x0], $0xffff  }
0x1ce: {  	v25 =	vadd.f32 v25, v33;
	v33 =	vmul.f32 v13, v20;
	v13 =	vmov v46;
	[tilespmem:s28+$0x110] =	vst v39;
	v29 =	vld.idx.msk [tilespmem:v29+s19+$0x0], $0xffff  }
0x1cf: {  	v24 =	vadd.f32 v24, v27;
	v37 =	vld.idx.msk [tilespmem:v28+s19+$0x0], $0xffff;
	v28 =	vmul.f32 v12, v20;
	v12 =	vmov v45  }
0x1d0: {  	v23 =	vadd.f32 v23, v33;
	v38 =	vld [tilespmem:s0+$0x30];
	[tilespmem:s28+$0x180] =	vst v25;
	v25 =	vmul.f32 v11, v20;
	v11 =	vmov v36  }
0x1d1: {  	v36 =	vmul.f32 v10, v20;
	v10 =	vmov v35;
	v33 =	vld [tilespmem:s0+$0x20];
	v30 =	vadd.f32 v30, v28;
	[tilespmem:s28+$0x1F0] =	vst v24  }
.Ltmp1:
0x1d2: {  	v24 =	vmul.f32 v9, v20;
	v9 =	vmov v34;
	v27 =	vld [tilespmem:s0+$0x10];
	v32 =	vadd.f32 v32, v25;
	[tilespmem:s28+$0x1E0] =	vst v23;
	(pc) =	sbr.rel @p0 .LBB2_5-.Ltmp1, $4  }
0x1d3: {  	v23 =	vmul.f32 v8, v20;
	v31 =	vadd.f32 v31, v36;
	v8 =	vmov v26;
	v28 =	vld [tilespmem:s0+$0x0];
	[tilespmem:s28+$0x1D0] =	vst v30  }
0x1d4: {  	v25 =	vadd.s32 v22, v47;
	v29 =	vadd.f32 v29, v24;
	v26 =	vld [tilespmem:s0+$0xFFFFFFF0];
	[tilespmem:s28+$0x1C0] =	vst v32  }
0x1d5: {  	v32 =	vadd.f32 v37, v23;
	v34 =	vld [tilespmem:s0+$0xFFFFFFE0];
	v24 =	vadd.s32 v22, v38;
	[tilespmem:s28+$0x1B0] =	vst v31  }
0x1d6: {  	v35 =	vld [tilespmem:s0+$0xFFFFFFD0];
	v23 =	vadd.s32 v22, v33;
	[tilespmem:s28+$0x1A0] =	vst v29  }
0x1d7: {  	_ =	sdelay $0x1  }
0x1d8: {  	v30 =	vadd.s32 v22, v27;
	v31 =	vld [tilespmem:s29+$0xFFFFFFC0]  }
0x1d9: {  	v27 =	vld [tilespmem:s29+$0x30];
	v29 =	vadd.s32 v22, v28  }
0x1da: {  	v60 =	vld.idx.msk [tilespmem:v23+s10+$0x0], $0xffff;
	v28 =	vadd.s32 v22, v26  }
0x1db: {  	v33 =	vld.idx.msk [tilespmem:v25+s10+$0x0], $0xffff;
	v26 =	vadd.s32 v22, v34  }
0x1dc: {  	v59 =	vld.idx.msk [tilespmem:v24+s10+$0x0], $0xffff;
	v22 =	vadd.s32 v22, v35  }
0x1dd: {  	v61 =	vmul.f32 v13, v21;
	v36 =	vld.idx.msk [tilespmem:v30+s10+$0x0], $0xffff  }
0x1de: {  	v37 =	vmul.f32 v31, v21;
	v38 =	vld.idx.msk [tilespmem:v29+s10+$0x0], $0xffff  }
0x1df: {  	v39 =	vmul.f32 v27, v21;
	v35 =	vadd.f32 v61, v60;
	v40 =	vld.idx.msk [tilespmem:v28+s10+$0x0], $0xffff  }
0x1e0: {  	[tilespmem:s28+$0x190] =	vst v32;
	s0 =	sadd.s32 $0x400, s28;
	v41 =	vmul.f32 v12, v21;
	v33 =	vadd.f32 v37, v33;
	v62 =	vld.idx.msk [tilespmem:v26+s10+$0x0], $0xffff  }
0x1e1: {  	v45 =	vmul.f32 v11, v21;
	v34 =	vadd.f32 v39, v59;
	[tilespmem:s0+$0xFFFFFE60] =	vst v35;
	v63 =	vld.idx.msk [tilespmem:v22+s10+$0x0], $0xffff  }
0x1e2: {  	v42 =	vmul.f32 v10, v21;
	v51 =	vld.idx.msk [tilespmem:v23+s13+$0x0], $0xffff;
	[tilespmem:s0+$0xFFFFFE00] =	vst v33;
	v36 =	vadd.f32 v41, v36  }
0x1e3: {  	v47 =	vmul.f32 v9, v21;
	[tilespmem:s0+$0xFFFFFE70] =	vst v34;
	v46 =	vld.idx.msk [tilespmem:v25+s13+$0x0], $0xffff;
	v33 =	vadd.f32 v45, v38  }
0x1e4: {  	v49 =	vmul.f32 v8, v21;
	v48 =	vld.idx.msk [tilespmem:v24+s13+$0x0], $0xffff;
	v50 =	vadd.f32 v42, v40;
	[tilespmem:s0+$0xFFFFFE50] =	vst v36  }
0x1e5: {  	v57 =	vmul.f32 v13, v14;
	v32 =	vadd.f32 v47, v62;
	[tilespmem:s0+$0xFFFFFE40] =	vst v33;
	v52 =	vld.idx.msk [tilespmem:v30+s13+$0x0], $0xffff  }
0x1e6: {  	v53 =	vmul.f32 v31, v14;
	v21 =	vadd.f32 v49, v63;
	[tilespmem:s0+$0xFFFFFE30] =	vst v50;
	v54 =	vld.idx.msk [tilespmem:v29+s13+$0x0], $0xffff  }
0x1e7: {  	v55 =	vmul.f32 v27, v14;
	v36 =	vadd.f32 v51, v57;
	[tilespmem:s0+$0xFFFFFE20] =	vst v32;
	v56 =	vld.idx.msk [tilespmem:v28+s13+$0x0], $0xffff  }
0x1e8: {  	v59 =	vmul.f32 v12, v14;
	v34 =	vadd.f32 v46, v53;
	[tilespmem:s0+$0xFFFFFE10] =	vst v21;
	v58 =	vld.idx.msk [tilespmem:v26+s13+$0x0], $0xffff  }
0x1e9: {  	v61 =	vmul.f32 v11, v14;
	v35 =	vadd.f32 v48, v55;
	[tilespmem:s0+$0xFFFFFEE0] =	vst v36;
	v60 =	vld.idx.msk [tilespmem:v22+s13+$0x0], $0xffff  }
0x1ea: {  	v63 =	vmul.f32 v10, v14;
	v46 =	vld.idx.msk [tilespmem:v23+s14+$0x0], $0xffff;
	[tilespmem:s0+$0xFFFFFE80] =	vst v34;
	v33 =	vadd.f32 v52, v59  }
0x1eb: {  	v43 =	vmul.f32 v9, v14;
	[tilespmem:s0+$0xFFFFFEF0] =	vst v35;
	v62 =	vld.idx.msk [tilespmem:v25+s14+$0x0], $0xffff;
	v34 =	vadd.f32 v54, v61  }
0x1ec: {  	v45 =	vmul.f32 v8, v14;
	v44 =	vld.idx.msk [tilespmem:v24+s14+$0x0], $0xffff;
	v32 =	vadd.f32 v56, v63;
	[tilespmem:s0+$0xFFFFFED0] =	vst v33  }
0x1ed: {  	v52 =	vmul.f32 v13, v15;
	v21 =	vadd.f32 v58, v43;
	[tilespmem:s0+$0xFFFFFEC0] =	vst v34;
	v47 =	vld.idx.msk [tilespmem:v30+s14+$0x0], $0xffff  }
0x1ee: {  	v48 =	vmul.f32 v31, v15;
	v14 =	vadd.f32 v60, v45;
	[tilespmem:s0+$0xFFFFFEB0] =	vst v32;
	v49 =	vld.idx.msk [tilespmem:v29+s14+$0x0], $0xffff  }
0x1ef: {  	v50 =	vmul.f32 v27, v15;
	v33 =	vadd.f32 v46, v52;
	[tilespmem:s0+$0xFFFFFEA0] =	vst v21;
	v51 =	vld.idx.msk [tilespmem:v28+s14+$0x0], $0xffff  }
0x1f0: {  	v54 =	vmul.f32 v12, v15;
	v35 =	vadd.f32 v62, v48;
	[tilespmem:s0+$0xFFFFFE90] =	vst v14;
	v53 =	vld.idx.msk [tilespmem:v26+s14+$0x0], $0xffff  }
0x1f1: {  	v56 =	vmul.f32 v11, v15;
	v36 =	vadd.f32 v44, v50;
	[tilespmem:s0+$0xFFFFFF60] =	vst v33;
	v55 =	vld.idx.msk [tilespmem:v22+s14+$0x0], $0xffff  }
0x1f2: {  	v58 =	vmul.f32 v10, v15;
	v62 =	vld.idx.msk [tilespmem:v23+s15+$0x0], $0xffff;
	[tilespmem:s0+$0xFFFFFF00] =	vst v35;
	v34 =	vadd.f32 v47, v54  }
0x1f3: {  	v59 =	vmul.f32 v9, v15;
	[tilespmem:s0+$0xFFFFFF70] =	vst v36;
	v57 =	vld.idx.msk [tilespmem:v25+s15+$0x0], $0xffff;
	v32 =	vadd.f32 v49, v56  }
0x1f4: {  	v61 =	vmul.f32 v8, v15;
	v60 =	vld.idx.msk [tilespmem:v24+s15+$0x0], $0xffff;
	v21 =	vadd.f32 v51, v58;
	[tilespmem:s0+$0xFFFFFF50] =	vst v34  }
0x1f5: {  	v46 =	vmul.f32 v13, v16;
	v14 =	vadd.f32 v53, v59;
	[tilespmem:s0+$0xFFFFFF40] =	vst v32;
	v63 =	vld.idx.msk [tilespmem:v30+s15+$0x0], $0xffff  }
0x1f6: {  	v42 =	vmul.f32 v31, v16;
	v15 =	vadd.f32 v55, v61;
	[tilespmem:s0+$0xFFFFFF30] =	vst v21;
	v43 =	vld.idx.msk [tilespmem:v29+s15+$0x0], $0xffff  }
0x1f7: {  	v44 =	vmul.f32 v27, v16;
	v34 =	vadd.f32 v62, v46;
	[tilespmem:s0+$0xFFFFFF20] =	vst v14;
	v45 =	vld.idx.msk [tilespmem:v28+s15+$0x0], $0xffff  }
0x1f8: {  	v48 =	vmul.f32 v12, v16;
	v35 =	vadd.f32 v57, v42;
	[tilespmem:s0+$0xFFFFFF10] =	vst v15;
	v47 =	vld.idx.msk [tilespmem:v26+s15+$0x0], $0xffff  }
0x1f9: {  	v50 =	vmul.f32 v11, v16;
	v33 =	vadd.f32 v60, v44;
	[tilespmem:s0+$0xFFFFFFE0] =	vst v34;
	v49 =	vld.idx.msk [tilespmem:v22+s15+$0x0], $0xffff  }
0x1fa: {  	v52 =	vmul.f32 v10, v16;
	v56 =	vld.idx.msk [tilespmem:v23+s16+$0x0], $0xffff;
	[tilespmem:s0+$0xFFFFFF80] =	vst v35;
	v32 =	vadd.f32 v63, v48  }
0x1fb: {  	v53 =	vmul.f32 v9, v16;
	[tilespmem:s0+$0xFFFFFFF0] =	vst v33;
	v51 =	vld.idx.msk [tilespmem:v25+s16+$0x0], $0xffff;
	v21 =	vadd.f32 v43, v50  }
0x1fc: {  	v55 =	vmul.f32 v8, v16;
	v54 =	vld.idx.msk [tilespmem:v24+s16+$0x0], $0xffff;
	v14 =	vadd.f32 v45, v52;
	[tilespmem:s0+$0xFFFFFFD0] =	vst v32  }
0x1fd: {  	v62 =	vmul.f32 v13, v17;
	v15 =	vadd.f32 v47, v53;
	[tilespmem:s0+$0xFFFFFFC0] =	vst v21;
	v57 =	vld.idx.msk [tilespmem:v30+s16+$0x0], $0xffff  }
0x1fe: {  	v58 =	vmul.f32 v31, v17;
	v16 =	vadd.f32 v49, v55;
	[tilespmem:s0+$0xFFFFFFB0] =	vst v14;
	v59 =	vld.idx.msk [tilespmem:v29+s16+$0x0], $0xffff  }
0x1ff: {  	v60 =	vmul.f32 v27, v17;
	v32 =	vadd.f32 v56, v62;
	[tilespmem:s0+$0xFFFFFFA0] =	vst v15;
	v61 =	vld.idx.msk [tilespmem:v28+s16+$0x0], $0xffff  }
0x200: {  	v40 =	vmul.f32 v12, v17;
	v33 =	vadd.f32 v51, v58;
	[tilespmem:s0+$0xFFFFFF90] =	vst v16;
	v63 =	vld.idx.msk [tilespmem:v26+s16+$0x0], $0xffff  }
0x201: {  	v42 =	vmul.f32 v11, v17;
	v34 =	vadd.f32 v54, v60;
	[tilespmem:s0+$0x60] =	vst v32;
	v41 =	vld.idx.msk [tilespmem:v22+s16+$0x0], $0xffff  }
0x202: {  	v44 =	vmul.f32 v10, v17;
	v48 =	vld.idx.msk [tilespmem:v23+s17+$0x0], $0xffff;
	[tilespmem:s0+$0x0] =	vst v33;
	v21 =	vadd.f32 v57, v40  }
0x203: {  	v45 =	vmul.f32 v9, v17;
	[tilespmem:s0+$0x70] =	vst v34;
	v43 =	vld.idx.msk [tilespmem:v25+s17+$0x0], $0xffff;
	v14 =	vadd.f32 v59, v42  }
0x204: {  	v47 =	vmul.f32 v8, v17;
	v46 =	vld.idx.msk [tilespmem:v24+s17+$0x0], $0xffff;
	v15 =	vadd.f32 v61, v44;
	[tilespmem:s0+$0x50] =	vst v21  }
0x205: {  	v54 =	vmul.f32 v13, v18;
	v16 =	vadd.f32 v63, v45;
	[tilespmem:s0+$0x40] =	vst v14;
	v49 =	vld.idx.msk [tilespmem:v30+s17+$0x0], $0xffff  }
0x206: {  	v50 =	vmul.f32 v31, v18;
	v17 =	vadd.f32 v41, v47;
	[tilespmem:s0+$0x30] =	vst v15;
	v51 =	vld.idx.msk [tilespmem:v29+s17+$0x0], $0xffff  }
0x207: {  	v52 =	vmul.f32 v27, v18;
	v21 =	vadd.f32 v48, v54;
	[tilespmem:s0+$0x20] =	vst v16;
	v53 =	vld.idx.msk [tilespmem:v28+s17+$0x0], $0xffff  }
0x208: {  	v56 =	vmul.f32 v12, v18;
	v33 =	vadd.f32 v43, v50;
	[tilespmem:s0+$0x10] =	vst v17;
	v55 =	vld.idx.msk [tilespmem:v26+s17+$0x0], $0xffff  }
0x209: {  	v58 =	vmul.f32 v11, v18;
	v32 =	vadd.f32 v46, v52;
	[tilespmem:s0+$0xE0] =	vst v21;
	v57 =	vld.idx.msk [tilespmem:v22+s17+$0x0], $0xffff  }
0x20a: {  	v60 =	vmul.f32 v10, v18;
	v36 =	vld.idx.msk [tilespmem:v23+s18+$0x0], $0xffff;
	[tilespmem:s0+$0x80] =	vst v33;
	v14 =	vadd.f32 v49, v56  }
0x20b: {  	v61 =	vmul.f32 v9, v18;
	[tilespmem:s0+$0xF0] =	vst v32;
	v59 =	vld.idx.msk [tilespmem:v25+s18+$0x0], $0xffff;
	v15 =	vadd.f32 v51, v58  }
0x20c: {  	v63 =	vmul.f32 v8, v18;
	v62 =	vld.idx.msk [tilespmem:v24+s18+$0x0], $0xffff;
	v16 =	vadd.f32 v53, v60;
	[tilespmem:s0+$0xD0] =	vst v14  }
0x20d: {  	v42 =	vmul.f32 v13, v19;
	v17 =	vadd.f32 v55, v61;
	[tilespmem:s0+$0xC0] =	vst v15;
	v37 =	vld.idx.msk [tilespmem:v30+s18+$0x0], $0xffff  }
0x20e: {  	v38 =	vmul.f32 v31, v19;
	v18 =	vadd.f32 v57, v63;
	[tilespmem:s0+$0xB0] =	vst v16;
	v39 =	vld.idx.msk [tilespmem:v29+s18+$0x0], $0xffff  }
0x20f: {  	v40 =	vmul.f32 v27, v19;
	v14 =	vadd.f32 v36, v42;
	[tilespmem:s0+$0xA0] =	vst v17;
	v41 =	vld.idx.msk [tilespmem:v28+s18+$0x0], $0xffff  }
0x210: {  	v44 =	vmul.f32 v12, v19;
	v32 =	vadd.f32 v59, v38;
	[tilespmem:s0+$0x90] =	vst v18;
	v43 =	vld.idx.msk [tilespmem:v26+s18+$0x0], $0xffff  }
0x211: {  	v46 =	vmul.f32 v11, v19;
	v21 =	vadd.f32 v62, v40;
	[tilespmem:s0+$0x160] =	vst v14;
	v45 =	vld.idx.msk [tilespmem:v22+s18+$0x0], $0xffff  }
0x212: {  	v48 =	vmul.f32 v10, v19;
	v52 =	vld.idx.msk [tilespmem:v23+s19+$0x0], $0xffff;
	[tilespmem:s0+$0x100] =	vst v32;
	v15 =	vadd.f32 v37, v44  }
0x213: {  	v49 =	vmul.f32 v9, v19;
	[tilespmem:s0+$0x170] =	vst v21;
	v47 =	vld.idx.msk [tilespmem:v25+s19+$0x0], $0xffff;
	v16 =	vadd.f32 v39, v46  }
0x214: {  	v51 =	vmul.f32 v8, v19;
	v50 =	vld.idx.msk [tilespmem:v24+s19+$0x0], $0xffff;
	v17 =	vadd.f32 v41, v48;
	[tilespmem:s0+$0x150] =	vst v15  }
0x215: {  	v58 =	vmul.f32 v13, v20;
	v18 =	vadd.f32 v43, v49;
	[tilespmem:s0+$0x140] =	vst v16;
	v53 =	vld.idx.msk [tilespmem:v30+s19+$0x0], $0xffff  }
0x216: {  	v54 =	vmul.f32 v31, v20;
	v19 =	vadd.f32 v45, v51;
	[tilespmem:s0+$0x130] =	vst v17;
	v55 =	vld.idx.msk [tilespmem:v29+s19+$0x0], $0xffff  }
0x217: {  	v56 =	vmul.f32 v27, v20;
	v13 =	vadd.f32 v52, v58;
	[tilespmem:s0+$0x120] =	vst v18;
	v57 =	vld.idx.msk [tilespmem:v28+s19+$0x0], $0xffff  }
0x218: {  	v60 =	vmul.f32 v12, v20;
	v21 =	vadd.f32 v47, v54;
	[tilespmem:s0+$0x110] =	vst v19;
	v59 =	vld.idx.msk [tilespmem:v26+s19+$0x0], $0xffff  }
0x219: {  	v61 =	vmul.f32 v11, v20;
	v14 =	vadd.f32 v50, v56;
	[tilespmem:s0+$0x1E0] =	vst v13;
	v22 =	vld.idx.msk [tilespmem:v22+s19+$0x0], $0xffff  }
0x21a: {  	v62 =	vmul.f32 v10, v20;
	[tilespmem:s0+$0x180] =	vst v21;
	v12 =	vadd.f32 v53, v60  }
0x21b: {  	s25 =	sadd.s32 $0x1, s25;
	v63 =	vmul.f32 v9, v20;
	[tilespmem:s0+$0x1F0] =	vst v14;
	v11 =	vadd.f32 v55, v61  }
0x21c: {  	p0 =	sne.s32 s25, $0x19;
	v8 =	vmul.f32 v8, v20;
	v10 =	vadd.f32 v57, v62;
	[tilespmem:s0+$0x1D0] =	vst v12  }
.Ltmp2:
0x21d: {  	v9 =	vadd.f32 v59, v63;
	[tilespmem:s0+$0x1C0] =	vst v11;
	(pc) =	sbr.rel @p0 .LBB2_2-.Ltmp2, $4  }
0x21e: {  	s4 =	sshll.u32 s26, $0xC;
	v8 =	vadd.f32 v22, v8;
	[tilespmem:s0+$0x1B0] =	vst v10  }
0x21f: {  	s4 =	sand.u32 $0xFFFF000, s4;
	[tilespmem:s0+$0x1A0] =	vst v9  }
0x220: {  	s31 =	sadd.s32 s3, s4;
	[tilespmem:s0+$0x190] =	vst v8  }
0x221: {  	[hbm4b:s31+s5] =	stream.linear.scatter [tilespmem:s21], [sflag:$0x2], $0x8000, $0x38;
	[tilespmem:$0x13080] =	vst v63  }
0x222: {  	s24 =	sadd.s32 $0x1, s24  }
0x223: {  	_ =	swait.ge [sflag:s22], $0x8000;
	p0 =	sne.s32 s24, s9  }
.Ltmp3:
0x224: {  	[sflag:s22] =	ssyncset.done $0x0;
	(pc) =	sbr.rel @p0 .LBB2_1-.Ltmp3, $4  }
0x225: {  	[sflag:s22] =	ssyncadd.s32 $0xFFFF8000  }
0x226: {  	_ =	swait.ge [sflag:s23], $0x8000  }
0x227: {  	[sflag:s23] =	ssyncset.done $0x0  }
0x228: {  	[sflag:s23] =	ssyncadd.s32 $0xFFFF8000  }
0x229: {  	_ =	sfence.sel $0x180000  }
0x22a: {  	[bflag:$0x0] =	sbarrier.arrive $0xFFFF  }
0x22b: {  	_ =	strace $0x90000047  }
0x22c: {  	s0 =	stileid.u32;
	[bflag:$0x2] =	sbarrier.arrive $0xFFFF  }
0x22d: {  	p0 =	sne.s32 s0, $0x0;
	s0 =	rddreg [dreg:$0x4]  }
0x22e: {  	s0 =	sadd.s32 @!p0 $0x100000, s0  }
0x22f: {  	[sflag:s0] =	ssyncadd.tile.s32 @!p0 $0x1;
	_ =	shalt  }
.Lfunc_end2:
_tile_overlayer_lowered:
.L_overlay_start_2:
0x230: {  	(tag) =	ssettag $0x2  }
0x231: {  	s0 =	rddreg [dreg:$0x0];
	s2 =	stileid.u32  }
0x232: {  	s1 =	rddreg [dreg:$0x1];
	p0 =	sne.s32 s2, $0x0  }
0x233: {  	s3 =	rddreg [dreg:$0x2];
	[bflag:$0x3] =	sbarrier.arrive $0xFFFF;
	s2 =	simm.s32 @!p0 $0x1C03  }
0x234: {  	[timem:s3], [sflag:s2] =	dma.local @!p0 [hbm:s0], s1  }
0x235: {  	s0 =	simm.s32 @!p0 $0x3  }
0x236: {  	_ =	swait.ge @!p0 [sflag:s0], s1  }
0x237: {  	s1 =	ssub.s32 @!p0 $0x0, s1;
	[sflag:s0] =	ssyncset.done @!p0 $0x0  }
0x238: {  	[sflag:s0] =	ssyncadd.s32 @!p0 s1  }
0x239: {  	[bflag:$0x3] =	sbarrier.arrive $0xFFFF  }
0x23a: {  	_ =	shalt  }

</sc_bundles>
